<compile_context>
chip_gen: v7x
topology: tpu7x:2x2x1
jax: 0.10.2.dev20260603
libtpu: 0.0.44.dev20260713+nightly
codegen_flags: <defaults>
</compile_context>

<pallas_src>
import functools

import jax
import jax.numpy as jnp
from jax import lax
from jax.experimental import pallas as pl
from jax.experimental.pallas import tpu as pltpu
from jax.experimental.pallas import tpu_sc as plsc

_VOCAB = 1000000
_EMBED = 64
_MAXLEN = 200
_LABELS = 64
_BATCH = 4096

_NC, _NS = 2, 16
_NW = _NC * _NS
_BPW = _BATCH // _NW
_C0, _C1 = 104, 96

_W = 15360
_NBLK = -(-_VOCAB // _W)
_NPAIR = -(-_NBLK // 2)
_PROWS = _NPAIR * _W


def _proj_body(tlo_ref, thi_ref, w_ref, o_ref):
    t2 = jnp.concatenate([tlo_ref[...], thi_ref[...]], axis=0)
    o_ref[...] = lax.dot_general(
        t2, w_ref[...], (((0,), (0,)), ((), ())),
        preferred_element_type=jnp.float32)


def _project(table_t, w_blk):
    return pl.pallas_call(
        _proj_body,
        grid=(_NPAIR,),
        in_specs=[
            pl.BlockSpec((_EMBED, _W), lambda i: (0, 2 * i)),
            pl.BlockSpec(
                (_EMBED, _W),
                lambda i: (0, jnp.minimum(2 * i + 1, _NBLK - 1))),
            pl.BlockSpec((2 * _EMBED, 2 * _EMBED), lambda i: (0, 0)),
        ],
        out_specs=pl.BlockSpec((_W, 2 * _EMBED), lambda i: (i, 0)),
        out_shape=jax.ShapeDtypeStruct((_PROWS, 2 * _EMBED), jnp.float32),
    )(table_t, table_t, w_blk)


def _make_mean_kernel():
    mesh = plsc.VectorSubcoreMesh(core_axis_name="c", subcore_axis_name="s")

    @functools.partial(
        pl.kernel,
        out_type=jax.ShapeDtypeStruct((_BATCH, _LABELS), jnp.float32),
        mesh=mesh,
        compiler_params=pltpu.CompilerParams(use_tc_tiling_on_sc=False),
        scratch_types=[
            pltpu.VMEM((_MAXLEN, _BPW), jnp.int32),
            pltpu.VMEM((8, _BPW, _LABELS), jnp.float32),
            pltpu.VMEM((_BPW, _LABELS), jnp.float32),
            pltpu.VMEM((_LABELS,), jnp.float32),
            pltpu.SemaphoreType.DMA,
            pltpu.SemaphoreType.DMA,
            pltpu.SemaphoreType.DMA,
            pltpu.SemaphoreType.DMA,
            pltpu.SemaphoreType.DMA,
            pltpu.SemaphoreType.DMA,
            pltpu.SemaphoreType.DMA,
            pltpu.SemaphoreType.DMA,
        ],
    )
    def mean_kernel(x_hbm, p_hbm, b_hbm, out_hbm,
                    idx_v, acc_v, out_v, b_v,
                    sem0, sem1, sem2, sem3, sem4, sem5, sem6, sem7):
        wid = lax.axis_index("s") * _NC + lax.axis_index("c")
        base = wid * _BPW
        pltpu.sync_copy(b_hbm, b_v)
        pltpu.sync_copy(x_hbm.at[:, pl.ds(base, _BPW)], idx_v)

        inv_len = jnp.float32(1.0 / _MAXLEN)
        zero = jnp.zeros((16,), jnp.float32)

        def zero_body(i, carry):
            for q in range(8):
                for c in range(4):
                    acc_v[q, i, pl.ds(c * 16, 16)] = zero
            return carry

        lax.fori_loop(0, _BPW, zero_body, 0)

        def fire(l, buf, sem):
            pltpu.async_copy(
                p_hbm.at[idx_v.at[l]], acc_v.at[buf], sem, add=True)

        def wait(buf, sem):
            pltpu.make_async_copy(
                p_hbm.at[idx_v.at[0]], acc_v.at[buf], sem).wait()

        sems = (sem0, sem1, sem2, sem3, sem4, sem5, sem6, sem7)

        def fire_body(ll, carry):
            l0 = ll * 8
            for u in range(8):
                fire(l0 + u, u, sems[u])
            return carry

        lax.fori_loop(0, _MAXLEN // 8, fire_body, 0)

        def drain_body(ll, carry):
            for u in range(8):
                wait(u, sems[u])
            return carry

        lax.fori_loop(0, _MAXLEN // 8, drain_body, 0)

        bias = tuple(b_v[pl.ds(c * 16, 16)] for c in range(4))

        def finish_body(i, carry):
            for c in range(4):
                s01 = (acc_v[0, i, pl.ds(c * 16, 16)]
                       + acc_v[1, i, pl.ds(c * 16, 16)])
                s23 = (acc_v[2, i, pl.ds(c * 16, 16)]
                       + acc_v[3, i, pl.ds(c * 16, 16)])
                s45 = (acc_v[4, i, pl.ds(c * 16, 16)]
                       + acc_v[5, i, pl.ds(c * 16, 16)])
                s67 = (acc_v[6, i, pl.ds(c * 16, 16)]
                       + acc_v[7, i, pl.ds(c * 16, 16)])
                s = (s01 + s23) + (s45 + s67)
                out_v[i, pl.ds(c * 16, 16)] = s * inv_len + bias[c]
            return carry

        lax.fori_loop(0, _BPW, finish_body, 0)
        pltpu.sync_copy(out_v, out_hbm.at[pl.ds(base, _BPW)])

    return mean_kernel


_MEAN_KERNEL = _make_mean_kernel()


def kernel(x, table, fc_w, fc_b):
    wt = fc_w.T
    z = jnp.zeros((_EMBED, _EMBED), jnp.float32)
    w_blk = jnp.block([[wt, z], [z, wt]])
    p_packed = _project(table.T, w_blk)
    p_rows = p_packed.reshape(2 * _PROWS, _LABELS)
    b = x // _W
    s = x - b * _W
    x2 = (((b >> 1) * _W + s) << 1) + (b & 1)
    return _MEAN_KERNEL(x2.T, p_rows, fc_b)

# --- scband reference (transcript-rebuilt; emitter-appended) ---
"""Pipeline reference for scband-fasttext-23613730194175 (READ-ONLY COPY).

The authoritative reference and input builder live on the scoring server;
editing this copy changes nothing except your own understanding.
"""

import jax, jax.numpy as jnp
import numpy as np

VOCAB = 1000000
EMBED = 64
MAXLEN = 200
LABELS = 64
BATCH = 4096

def setup_inputs(seed: int = 0) -> dict:
    key = jax.random.key(seed)
    k1, k2, k3, k4 = jax.random.split(key, 4)
    x = jax.random.randint(k1, (BATCH, MAXLEN), 0, VOCAB, dtype=jnp.int64 if jax.config.read('jax_enable_x64') else jnp.int32)
    table = jax.random.normal(k2, (VOCAB, EMBED), dtype=jnp.float32) * 0.02
    fc_w = jax.random.normal(k3, (LABELS, EMBED), dtype=jnp.float32) * (1.0 / np.sqrt(EMBED))
    fc_b = jax.random.normal(k4, (LABELS,), dtype=jnp.float32) * 0.01
    return {"x": x, "table": table, "fc_w": fc_w, "fc_b": fc_b}

def reference(x, table, fc_w, fc_b):
    # nn.Embedding lookup: [B, L] -> [B, L, E]
    out = jnp.take(table, x, axis=0)
    # transpose(1,2) -> [B, E, L]; AvgPool1d(kernel=L, stride=1) -> [B, E, 1]; squeeze -> [B, E]
    out = jnp.mean(out, axis=1)
    # fc: [B, E] @ [E, LABELS] + b
    out = out @ fc_w.T + fc_b
    return out

if __name__ == "__main__":
    import jax
    _d = setup_inputs()
    print(jax.jit(kernel)(*tuple(_d.values())))

</pallas_src>

<mosaic_0001>
#map = affine_map<(d0, d1) -> (0, 0)>
#map1 = affine_map<(d0, d1) -> (0)>
module attributes {stable_mosaic.version = 14 : i64} {
  func.func @mean_kernel(%arg0: i32, %arg1: i32, %arg2: memref<200x4096xi32, #tpu.memory_space<hbm>>, %arg3: memref<1013760x64xf32, #tpu.memory_space<hbm>>, %arg4: memref<64xf32, #tpu.memory_space<hbm>>, %arg5: memref<4096x64xf32, #tpu.memory_space<hbm>>, %arg6: memref<200x128xi32, #tpu.memory_space<vmem>>, %arg7: memref<8x128x64xf32, #tpu.memory_space<vmem>>, %arg8: memref<128x64xf32, #tpu.memory_space<vmem>>, %arg9: memref<64xf32, #tpu.memory_space<vmem>>, %arg10: memref<!tpu.dma_semaphore, #tpu.memory_space<semaphore_mem>>, %arg11: memref<!tpu.dma_semaphore, #tpu.memory_space<semaphore_mem>>, %arg12: memref<!tpu.dma_semaphore, #tpu.memory_space<semaphore_mem>>, %arg13: memref<!tpu.dma_semaphore, #tpu.memory_space<semaphore_mem>>, %arg14: memref<!tpu.dma_semaphore, #tpu.memory_space<semaphore_mem>>, %arg15: memref<!tpu.dma_semaphore, #tpu.memory_space<semaphore_mem>>, %arg16: memref<!tpu.dma_semaphore, #tpu.memory_space<semaphore_mem>>, %arg17: memref<!tpu.dma_semaphore, #tpu.memory_space<semaphore_mem>>) attributes {dimension_semantics = [#tpu.dimension_semantics<core_parallel>, #tpu.dimension_semantics<subcore_parallel>], iteration_bounds = array<i64: 2, 16>, scalar_prefetch = 0 : i64, scratch_operands = 12 : i64, tpu.core_type = #tpu.core_type<sc_vector_subcore>, window_params = [{transform_indices = #map}, {transform_indices = #map}, {transform_indices = #map1}, {transform_indices = #map}]} {
    %mul3A = arith.constant 2 : i32
    %mul3A_0 = arith.muli %arg1, %mul3A : i32
    %add3A = arith.addi %mul3A_0, %arg0 : i32
    %mul3A_1 = arith.constant 128 : i32
    %mul3A_2 = arith.muli %add3A, %mul3A_1 : i32
    "tpu.region"() ({
      %run_scoped3A = tpu.sem_alloc : memref<!tpu.dma_semaphore, #tpu.memory_space<semaphore_mem>>
      tpu.enqueue_dma source(%arg4 : memref<64xf32, #tpu.memory_space<hbm>>) target(%arg9 : memref<64xf32, #tpu.memory_space<vmem>>) target_semaphore(%run_scoped3A : memref<!tpu.dma_semaphore, #tpu.memory_space<semaphore_mem>>)
      tpu.wait_dma2 semaphore(%run_scoped3A : memref<!tpu.dma_semaphore, #tpu.memory_space<semaphore_mem>>) src(%arg4 : memref<64xf32, #tpu.memory_space<hbm>>) dst(%arg9 : memref<64xf32, #tpu.memory_space<vmem>>)
      tpu.yield
    }) : () -> ()
    "tpu.region"() ({
      %run_scoped3A = tpu.sem_alloc : memref<!tpu.dma_semaphore, #tpu.memory_space<semaphore_mem>>
      %dma_start3A = arith.constant 0 : i32
      %dma_start3A_39 = tpu.memref_slice %arg2[%dma_start3A, %mul3A_2] : memref<200x4096xi32, #tpu.memory_space<hbm>> -> memref<200x128xi32, #tpu.memory_space<hbm>>
      %dma_start3A_40 = arith.constant 0 : i32
      %dma_start3A_41 = tpu.memref_slice %arg2[%dma_start3A_40, %mul3A_2] : memref<200x4096xi32, #tpu.memory_space<hbm>> -> memref<200x128xi32, #tpu.memory_space<hbm>>
      tpu.enqueue_dma source(%dma_start3A_41 : memref<200x128xi32, #tpu.memory_space<hbm>>) target(%arg6 : memref<200x128xi32, #tpu.memory_space<vmem>>) target_semaphore(%run_scoped3A : memref<!tpu.dma_semaphore, #tpu.memory_space<semaphore_mem>>)
      %dma_wait3A = arith.constant 0 : i32
      %dma_wait3A_42 = tpu.memref_slice %arg2[%dma_wait3A, %mul3A_2] : memref<200x4096xi32, #tpu.memory_space<hbm>> -> memref<200x128xi32, #tpu.memory_space<hbm>>
      %dma_wait3A_43 = arith.constant 0 : i32
      %dma_wait3A_44 = tpu.memref_slice %arg2[%dma_wait3A_43, %mul3A_2] : memref<200x4096xi32, #tpu.memory_space<hbm>> -> memref<200x128xi32, #tpu.memory_space<hbm>>
      tpu.wait_dma2 semaphore(%run_scoped3A : memref<!tpu.dma_semaphore, #tpu.memory_space<semaphore_mem>>) src(%dma_wait3A_44 : memref<200x128xi32, #tpu.memory_space<hbm>>) dst(%arg6 : memref<200x128xi32, #tpu.memory_space<vmem>>)
      tpu.yield
    }) : () -> ()
    %broadcast_in_dim3A = arith.constant 0.000000e+00 : f32
    %broadcast_in_dim3A_3 = vector.broadcast %broadcast_in_dim3A : f32 to vector<16xf32>
    %scan3A = arith.constant 0 : i32
    %scan3A_4 = arith.constant 0 : i32
    %scan3A_5 = arith.constant 128 : i32
    %scan3A_6 = arith.addi %scan3A_4, %scan3A_5 : i32
    %scan3A_7 = arith.constant 1 : i32
    scf.for %scan3A_39 = %scan3A_4 to %scan3A_6 step %scan3A_7  : i32 {
      %swap3A = arith.constant 0 : i32
      %swap3A_40 = arith.index_cast %swap3A : i32 to index
      %swap3A_41 = arith.index_cast %scan3A_39 : i32 to index
      %swap3A_42 = arith.constant 0 : index
      %swap3A_43 = tpu.vector_load %arg7[%swap3A_40, %swap3A_41, %swap3A_42] {strides = array<i32>} : memref<8x128x64xf32, #tpu.memory_space<vmem>>, vector<1x1x16xf32>,
      %swap3A_44 = vector.shape_cast %swap3A_43 : vector<1x1x16xf32> to vector<16xf32>
      %swap3A_45 = vector.shape_cast %broadcast_in_dim3A_3 : vector<16xf32> to vector<1x1x16xf32>
      tpu.vector_store %arg7[%swap3A_40, %swap3A_41, %swap3A_42], %swap3A_45 {strides = array<i32>} : memref<8x128x64xf32, #tpu.memory_space<vmem>>, vector<1x1x16xf32>,
      %swap3A_46 = arith.constant 0 : i32
      %swap3A_47 = arith.index_cast %swap3A_46 : i32 to index
      %swap3A_48 = arith.index_cast %scan3A_39 : i32 to index
      %swap3A_49 = arith.constant 16 : index
      %swap3A_50 = tpu.vector_load %arg7[%swap3A_47, %swap3A_48, %swap3A_49] {strides = array<i32>} : memref<8x128x64xf32, #tpu.memory_space<vmem>>, vector<1x1x16xf32>,
      %swap3A_51 = vector.shape_cast %swap3A_50 : vector<1x1x16xf32> to vector<16xf32>
      %swap3A_52 = vector.shape_cast %broadcast_in_dim3A_3 : vector<16xf32> to vector<1x1x16xf32>
      tpu.vector_store %arg7[%swap3A_47, %swap3A_48, %swap3A_49], %swap3A_52 {strides = array<i32>} : memref<8x128x64xf32, #tpu.memory_space<vmem>>, vector<1x1x16xf32>,
      %swap3A_53 = arith.constant 0 : i32
      %swap3A_54 = arith.index_cast %swap3A_53 : i32 to index
      %swap3A_55 = arith.index_cast %scan3A_39 : i32 to index
      %swap3A_56 = arith.constant 32 : index
      %swap3A_57 = tpu.vector_load %arg7[%swap3A_54, %swap3A_55, %swap3A_56] {strides = array<i32>} : memref<8x128x64xf32, #tpu.memory_space<vmem>>, vector<1x1x16xf32>,
      %swap3A_58 = vector.shape_cast %swap3A_57 : vector<1x1x16xf32> to vector<16xf32>
      %swap3A_59 = vector.shape_cast %broadcast_in_dim3A_3 : vector<16xf32> to vector<1x1x16xf32>
      tpu.vector_store %arg7[%swap3A_54, %swap3A_55, %swap3A_56], %swap3A_59 {strides = array<i32>} : memref<8x128x64xf32, #tpu.memory_space<vmem>>, vector<1x1x16xf32>,
      %swap3A_60 = arith.constant 0 : i32
      %swap3A_61 = arith.index_cast %swap3A_60 : i32 to index
      %swap3A_62 = arith.index_cast %scan3A_39 : i32 to index
      %swap3A_63 = arith.constant 48 : index
      %swap3A_64 = tpu.vector_load %arg7[%swap3A_61, %swap3A_62, %swap3A_63] {strides = array<i32>} : memref<8x128x64xf32, #tpu.memory_space<vmem>>, vector<1x1x16xf32>,
      %swap3A_65 = vector.shape_cast %swap3A_64 : vector<1x1x16xf32> to vector<16xf32>
      %swap3A_66 = vector.shape_cast %broadcast_in_dim3A_3 : vector<16xf32> to vector<1x1x16xf32>
      tpu.vector_store %arg7[%swap3A_61, %swap3A_62, %swap3A_63], %swap3A_66 {strides = array<i32>} : memref<8x128x64xf32, #tpu.memory_space<vmem>>, vector<1x1x16xf32>,
      %swap3A_67 = arith.constant 1 : i32
      %swap3A_68 = arith.index_cast %swap3A_67 : i32 to index
      %swap3A_69 = arith.index_cast %scan3A_39 : i32 to index
      %swap3A_70 = arith.constant 0 : index
      %swap3A_71 = tpu.vector_load %arg7[%swap3A_68, %swap3A_69, %swap3A_70] {strides = array<i32>} : memref<8x128x64xf32, #tpu.memory_space<vmem>>, vector<1x1x16xf32>,
      %swap3A_72 = vector.shape_cast %swap3A_71 : vector<1x1x16xf32> to vector<16xf32>
      %swap3A_73 = vector.shape_cast %broadcast_in_dim3A_3 : vector<16xf32> to vector<1x1x16xf32>
      tpu.vector_store %arg7[%swap3A_68, %swap3A_69, %swap3A_70], %swap3A_73 {strides = array<i32>} : memref<8x128x64xf32, #tpu.memory_space<vmem>>, vector<1x1x16xf32>,
      %swap3A_74 = arith.constant 1 : i32
      %swap3A_75 = arith.index_cast %swap3A_74 : i32 to index
      %swap3A_76 = arith.index_cast %scan3A_39 : i32 to index
      %swap3A_77 = arith.constant 16 : index
      %swap3A_78 = tpu.vector_load %arg7[%swap3A_75, %swap3A_76, %swap3A_77] {strides = array<i32>} : memref<8x128x64xf32, #tpu.memory_space<vmem>>, vector<1x1x16xf32>,
      %swap3A_79 = vector.shape_cast %swap3A_78 : vector<1x1x16xf32> to vector<16xf32>
      %swap3A_80 = vector.shape_cast %broadcast_in_dim3A_3 : vector<16xf32> to vector<1x1x16xf32>
      tpu.vector_store %arg7[%swap3A_75, %swap3A_76, %swap3A_77], %swap3A_80 {strides = array<i32>} : memref<8x128x64xf32, #tpu.memory_space<vmem>>, vector<1x1x16xf32>,
      %swap3A_81 = arith.constant 1 : i32
      %swap3A_82 = arith.index_cast %swap3A_81 : i32 to index
      %swap3A_83 = arith.index_cast %scan3A_39 : i32 to index
      %swap3A_84 = arith.constant 32 : index
      %swap3A_85 = tpu.vector_load %arg7[%swap3A_82, %swap3A_83, %swap3A_84] {strides = array<i32>} : memref<8x128x64xf32, #tpu.memory_space<vmem>>, vector<1x1x16xf32>,
      %swap3A_86 = vector.shape_cast %swap3A_85 : vector<1x1x16xf32> to vector<16xf32>
      %swap3A_87 = vector.shape_cast %broadcast_in_dim3A_3 : vector<16xf32> to vector<1x1x16xf32>
      tpu.vector_store %arg7[%swap3A_82, %swap3A_83, %swap3A_84], %swap3A_87 {strides = array<i32>} : memref<8x128x64xf32, #tpu.memory_space<vmem>>, vector<1x1x16xf32>,
      %swap3A_88 = arith.constant 1 : i32
      %swap3A_89 = arith.index_cast %swap3A_88 : i32 to index
      %swap3A_90 = arith.index_cast %scan3A_39 : i32 to index
      %swap3A_91 = arith.constant 48 : index
      %swap3A_92 = tpu.vector_load %arg7[%swap3A_89, %swap3A_90, %swap3A_91] {strides = array<i32>} : memref<8x128x64xf32, #tpu.memory_space<vmem>>, vector<1x1x16xf32>,
      %swap3A_93 = vector.shape_cast %swap3A_92 : vector<1x1x16xf32> to vector<16xf32>
      %swap3A_94 = vector.shape_cast %broadcast_in_dim3A_3 : vector<16xf32> to vector<1x1x16xf32>
      tpu.vector_store %arg7[%swap3A_89, %swap3A_90, %swap3A_91], %swap3A_94 {strides = array<i32>} : memref<8x128x64xf32, #tpu.memory_space<vmem>>, vector<1x1x16xf32>,
      %swap3A_95 = arith.constant 2 : i32
      %swap3A_96 = arith.index_cast %swap3A_95 : i32 to index
      %swap3A_97 = arith.index_cast %scan3A_39 : i32 to index
      %swap3A_98 = arith.constant 0 : index
      %swap3A_99 = tpu.vector_load %arg7[%swap3A_96, %swap3A_97, %swap3A_98] {strides = array<i32>} : memref<8x128x64xf32, #tpu.memory_space<vmem>>, vector<1x1x16xf32>,
      %swap3A_100 = vector.shape_cast %swap3A_99 : vector<1x1x16xf32> to vector<16xf32>
      %swap3A_101 = vector.shape_cast %broadcast_in_dim3A_3 : vector<16xf32> to vector<1x1x16xf32>
      tpu.vector_store %arg7[%swap3A_96, %swap3A_97, %swap3A_98], %swap3A_101 {strides = array<i32>} : memref<8x128x64xf32, #tpu.memory_space<vmem>>, vector<1x1x16xf32>,
      %swap3A_102 = arith.constant 2 : i32
      %swap3A_103 = arith.index_cast %swap3A_102 : i32 to index
      %swap3A_104 = arith.index_cast %scan3A_39 : i32 to index
      %swap3A_105 = arith.constant 16 : index
      %swap3A_106 = tpu.vector_load %arg7[%swap3A_103, %swap3A_104, %swap3A_105] {strides = array<i32>} : memref<8x128x64xf32, #tpu.memory_space<vmem>>, vector<1x1x16xf32>,
      %swap3A_107 = vector.shape_cast %swap3A_106 : vector<1x1x16xf32> to vector<16xf32>
      %swap3A_108 = vector.shape_cast %broadcast_in_dim3A_3 : vector<16xf32> to vector<1x1x16xf32>
      tpu.vector_store %arg7[%swap3A_103, %swap3A_104, %swap3A_105], %swap3A_108 {strides = array<i32>} : memref<8x128x64xf32, #tpu.memory_space<vmem>>, vector<1x1x16xf32>,
      %swap3A_109 = arith.constant 2 : i32
      %swap3A_110 = arith.index_cast %swap3A_109 : i32 to index
      %swap3A_111 = arith.index_cast %scan3A_39 : i32 to index
      %swap3A_112 = arith.constant 32 : index
      %swap3A_113 = tpu.vector_load %arg7[%swap3A_110, %swap3A_111, %swap3A_112] {strides = array<i32>} : memref<8x128x64xf32, #tpu.memory_space<vmem>>, vector<1x1x16xf32>,
      %swap3A_114 = vector.shape_cast %swap3A_113 : vector<1x1x16xf32> to vector<16xf32>
      %swap3A_115 = vector.shape_cast %broadcast_in_dim3A_3 : vector<16xf32> to vector<1x1x16xf32>
      tpu.vector_store %arg7[%swap3A_110, %swap3A_111, %swap3A_112], %swap3A_115 {strides = array<i32>} : memref<8x128x64xf32, #tpu.memory_space<vmem>>, vector<1x1x16xf32>,
      %swap3A_116 = arith.constant 2 : i32
      %swap3A_117 = arith.index_cast %swap3A_116 : i32 to index
      %swap3A_118 = arith.index_cast %scan3A_39 : i32 to index
      %swap3A_119 = arith.constant 48 : index
      %swap3A_120 = tpu.vector_load %arg7[%swap3A_117, %swap3A_118, %swap3A_119] {strides = array<i32>} : memref<8x128x64xf32, #tpu.memory_space<vmem>>, vector<1x1x16xf32>,
      %swap3A_121 = vector.shape_cast %swap3A_120 : vector<1x1x16xf32> to vector<16xf32>
      %swap3A_122 = vector.shape_cast %broadcast_in_dim3A_3 : vector<16xf32> to vector<1x1x16xf32>
      tpu.vector_store %arg7[%swap3A_117, %swap3A_118, %swap3A_119], %swap3A_122 {strides = array<i32>} : memref<8x128x64xf32, #tpu.memory_space<vmem>>, vector<1x1x16xf32>,
      %swap3A_123 = arith.constant 3 : i32
      %swap3A_124 = arith.index_cast %swap3A_123 : i32 to index
      %swap3A_125 = arith.index_cast %scan3A_39 : i32 to index
      %swap3A_126 = arith.constant 0 : index
      %swap3A_127 = tpu.vector_load %arg7[%swap3A_124, %swap3A_125, %swap3A_126] {strides = array<i32>} : memref<8x128x64xf32, #tpu.memory_space<vmem>>, vector<1x1x16xf32>,
      %swap3A_128 = vector.shape_cast %swap3A_127 : vector<1x1x16xf32> to vector<16xf32>
      %swap3A_129 = vector.shape_cast %broadcast_in_dim3A_3 : vector<16xf32> to vector<1x1x16xf32>
      tpu.vector_store %arg7[%swap3A_124, %swap3A_125, %swap3A_126], %swap3A_129 {strides = array<i32>} : memref<8x128x64xf32, #tpu.memory_space<vmem>>, vector<1x1x16xf32>,
      %swap3A_130 = arith.constant 3 : i32
      %swap3A_131 = arith.index_cast %swap3A_130 : i32 to index
      %swap3A_132 = arith.index_cast %scan3A_39 : i32 to index
      %swap3A_133 = arith.constant 16 : index
      %swap3A_134 = tpu.vector_load %arg7[%swap3A_131, %swap3A_132, %swap3A_133] {strides = array<i32>} : memref<8x128x64xf32, #tpu.memory_space<vmem>>, vector<1x1x16xf32>,
      %swap3A_135 = vector.shape_cast %swap3A_134 : vector<1x1x16xf32> to vector<16xf32>
      %swap3A_136 = vector.shape_cast %broadcast_in_dim3A_3 : vector<16xf32> to vector<1x1x16xf32>
      tpu.vector_store %arg7[%swap3A_131, %swap3A_132, %swap3A_133], %swap3A_136 {strides = array<i32>} : memref<8x128x64xf32, #tpu.memory_space<vmem>>, vector<1x1x16xf32>,
      %swap3A_137 = arith.constant 3 : i32
      %swap3A_138 = arith.index_cast %swap3A_137 : i32 to index
      %swap3A_139 = arith.index_cast %scan3A_39 : i32 to index
      %swap3A_140 = arith.constant 32 : index
      %swap3A_141 = tpu.vector_load %arg7[%swap3A_138, %swap3A_139, %swap3A_140] {strides = array<i32>} : memref<8x128x64xf32, #tpu.memory_space<vmem>>, vector<1x1x16xf32>,
      %swap3A_142 = vector.shape_cast %swap3A_141 : vector<1x1x16xf32> to vector<16xf32>
      %swap3A_143 = vector.shape_cast %broadcast_in_dim3A_3 : vector<16xf32> to vector<1x1x16xf32>
      tpu.vector_store %arg7[%swap3A_138, %swap3A_139, %swap3A_140], %swap3A_143 {strides = array<i32>} : memref<8x128x64xf32, #tpu.memory_space<vmem>>, vector<1x1x16xf32>,
      %swap3A_144 = arith.constant 3 : i32
      %swap3A_145 = arith.index_cast %swap3A_144 : i32 to index
      %swap3A_146 = arith.index_cast %scan3A_39 : i32 to index
      %swap3A_147 = arith.constant 48 : index
      %swap3A_148 = tpu.vector_load %arg7[%swap3A_145, %swap3A_146, %swap3A_147] {strides = array<i32>} : memref<8x128x64xf32, #tpu.memory_space<vmem>>, vector<1x1x16xf32>,
      %swap3A_149 = vector.shape_cast %swap3A_148 : vector<1x1x16xf32> to vector<16xf32>
      %swap3A_150 = vector.shape_cast %broadcast_in_dim3A_3 : vector<16xf32> to vector<1x1x16xf32>
      tpu.vector_store %arg7[%swap3A_145, %swap3A_146, %swap3A_147], %swap3A_150 {strides = array<i32>} : memref<8x128x64xf32, #tpu.memory_space<vmem>>, vector<1x1x16xf32>,
      %swap3A_151 = arith.constant 4 : i32
      %swap3A_152 = arith.index_cast %swap3A_151 : i32 to index
      %swap3A_153 = arith.index_cast %scan3A_39 : i32 to index
      %swap3A_154 = arith.constant 0 : index
      %swap3A_155 = tpu.vector_load %arg7[%swap3A_152, %swap3A_153, %swap3A_154] {strides = array<i32>} : memref<8x128x64xf32, #tpu.memory_space<vmem>>, vector<1x1x16xf32>,
      %swap3A_156 = vector.shape_cast %swap3A_155 : vector<1x1x16xf32> to vector<16xf32>
      %swap3A_157 = vector.shape_cast %broadcast_in_dim3A_3 : vector<16xf32> to vector<1x1x16xf32>
      tpu.vector_store %arg7[%swap3A_152, %swap3A_153, %swap3A_154], %swap3A_157 {strides = array<i32>} : memref<8x128x64xf32, #tpu.memory_space<vmem>>, vector<1x1x16xf32>,
      %swap3A_158 = arith.constant 4 : i32
      %swap3A_159 = arith.index_cast %swap3A_158 : i32 to index
      %swap3A_160 = arith.index_cast %scan3A_39 : i32 to index
      %swap3A_161 = arith.constant 16 : index
      %swap3A_162 = tpu.vector_load %arg7[%swap3A_159, %swap3A_160, %swap3A_161] {strides = array<i32>} : memref<8x128x64xf32, #tpu.memory_space<vmem>>, vector<1x1x16xf32>,
      %swap3A_163 = vector.shape_cast %swap3A_162 : vector<1x1x16xf32> to vector<16xf32>
      %swap3A_164 = vector.shape_cast %broadcast_in_dim3A_3 : vector<16xf32> to vector<1x1x16xf32>
      tpu.vector_store %arg7[%swap3A_159, %swap3A_160, %swap3A_161], %swap3A_164 {strides = array<i32>} : memref<8x128x64xf32, #tpu.memory_space<vmem>>, vector<1x1x16xf32>,
      %swap3A_165 = arith.constant 4 : i32
      %swap3A_166 = arith.index_cast %swap3A_165 : i32 to index
      %swap3A_167 = arith.index_cast %scan3A_39 : i32 to index
      %swap3A_168 = arith.constant 32 : index
      %swap3A_169 = tpu.vector_load %arg7[%swap3A_166, %swap3A_167, %swap3A_168] {strides = array<i32>} : memref<8x128x64xf32, #tpu.memory_space<vmem>>, vector<1x1x16xf32>,
      %swap3A_170 = vector.shape_cast %swap3A_169 : vector<1x1x16xf32> to vector<16xf32>
      %swap3A_171 = vector.shape_cast %broadcast_in_dim3A_3 : vector<16xf32> to vector<1x1x16xf32>
      tpu.vector_store %arg7[%swap3A_166, %swap3A_167, %swap3A_168], %swap3A_171 {strides = array<i32>} : memref<8x128x64xf32, #tpu.memory_space<vmem>>, vector<1x1x16xf32>,
      %swap3A_172 = arith.constant 4 : i32
      %swap3A_173 = arith.index_cast %swap3A_172 : i32 to index
      %swap3A_174 = arith.index_cast %scan3A_39 : i32 to index
      %swap3A_175 = arith.constant 48 : index
      %swap3A_176 = tpu.vector_load %arg7[%swap3A_173, %swap3A_174, %swap3A_175] {strides = array<i32>} : memref<8x128x64xf32, #tpu.memory_space<vmem>>, vector<1x1x16xf32>,
      %swap3A_177 = vector.shape_cast %swap3A_176 : vector<1x1x16xf32> to vector<16xf32>
      %swap3A_178 = vector.shape_cast %broadcast_in_dim3A_3 : vector<16xf32> to vector<1x1x16xf32>
      tpu.vector_store %arg7[%swap3A_173, %swap3A_174, %swap3A_175], %swap3A_178 {strides = array<i32>} : memref<8x128x64xf32, #tpu.memory_space<vmem>>, vector<1x1x16xf32>,
      %swap3A_179 = arith.constant 5 : i32
      %swap3A_180 = arith.index_cast %swap3A_179 : i32 to index
      %swap3A_181 = arith.index_cast %scan3A_39 : i32 to index
      %swap3A_182 = arith.constant 0 : index
      %swap3A_183 = tpu.vector_load %arg7[%swap3A_180, %swap3A_181, %swap3A_182] {strides = array<i32>} : memref<8x128x64xf32, #tpu.memory_space<vmem>>, vector<1x1x16xf32>,
      %swap3A_184 = vector.shape_cast %swap3A_183 : vector<1x1x16xf32> to vector<16xf32>
      %swap3A_185 = vector.shape_cast %broadcast_in_dim3A_3 : vector<16xf32> to vector<1x1x16xf32>
      tpu.vector_store %arg7[%swap3A_180, %swap3A_181, %swap3A_182], %swap3A_185 {strides = array<i32>} : memref<8x128x64xf32, #tpu.memory_space<vmem>>, vector<1x1x16xf32>,
      %swap3A_186 = arith.constant 5 : i32
      %swap3A_187 = arith.index_cast %swap3A_186 : i32 to index
      %swap3A_188 = arith.index_cast %scan3A_39 : i32 to index
      %swap3A_189 = arith.constant 16 : index
      %swap3A_190 = tpu.vector_load %arg7[%swap3A_187, %swap3A_188, %swap3A_189] {strides = array<i32>} : memref<8x128x64xf32, #tpu.memory_space<vmem>>, vector<1x1x16xf32>,
      %swap3A_191 = vector.shape_cast %swap3A_190 : vector<1x1x16xf32> to vector<16xf32>
      %swap3A_192 = vector.shape_cast %broadcast_in_dim3A_3 : vector<16xf32> to vector<1x1x16xf32>
      tpu.vector_store %arg7[%swap3A_187, %swap3A_188, %swap3A_189], %swap3A_192 {strides = array<i32>} : memref<8x128x64xf32, #tpu.memory_space<vmem>>, vector<1x1x16xf32>,
      %swap3A_193 = arith.constant 5 : i32
      %swap3A_194 = arith.index_cast %swap3A_193 : i32 to index
      %swap3A_195 = arith.index_cast %scan3A_39 : i32 to index
      %swap3A_196 = arith.constant 32 : index
      %swap3A_197 = tpu.vector_load %arg7[%swap3A_194, %swap3A_195, %swap3A_196] {strides = array<i32>} : memref<8x128x64xf32, #tpu.memory_space<vmem>>, vector<1x1x16xf32>,
      %swap3A_198 = vector.shape_cast %swap3A_197 : vector<1x1x16xf32> to vector<16xf32>
      %swap3A_199 = vector.shape_cast %broadcast_in_dim3A_3 : vector<16xf32> to vector<1x1x16xf32>
      tpu.vector_store %arg7[%swap3A_194, %swap3A_195, %swap3A_196], %swap3A_199 {strides = array<i32>} : memref<8x128x64xf32, #tpu.memory_space<vmem>>, vector<1x1x16xf32>,
      %swap3A_200 = arith.constant 5 : i32
      %swap3A_201 = arith.index_cast %swap3A_200 : i32 to index
      %swap3A_202 = arith.index_cast %scan3A_39 : i32 to index
      %swap3A_203 = arith.constant 48 : index
      %swap3A_204 = tpu.vector_load %arg7[%swap3A_201, %swap3A_202, %swap3A_203] {strides = array<i32>} : memref<8x128x64xf32, #tpu.memory_space<vmem>>, vector<1x1x16xf32>,
      %swap3A_205 = vector.shape_cast %swap3A_204 : vector<1x1x16xf32> to vector<16xf32>
      %swap3A_206 = vector.shape_cast %broadcast_in_dim3A_3 : vector<16xf32> to vector<1x1x16xf32>
      tpu.vector_store %arg7[%swap3A_201, %swap3A_202, %swap3A_203], %swap3A_206 {strides = array<i32>} : memref<8x128x64xf32, #tpu.memory_space<vmem>>, vector<1x1x16xf32>,
      %swap3A_207 = arith.constant 6 : i32
      %swap3A_208 = arith.index_cast %swap3A_207 : i32 to index
      %swap3A_209 = arith.index_cast %scan3A_39 : i32 to index
      %swap3A_210 = arith.constant 0 : index
      %swap3A_211 = tpu.vector_load %arg7[%swap3A_208, %swap3A_209, %swap3A_210] {strides = array<i32>} : memref<8x128x64xf32, #tpu.memory_space<vmem>>, vector<1x1x16xf32>,
      %swap3A_212 = vector.shape_cast %swap3A_211 : vector<1x1x16xf32> to vector<16xf32>
      %swap3A_213 = vector.shape_cast %broadcast_in_dim3A_3 : vector<16xf32> to vector<1x1x16xf32>
      tpu.vector_store %arg7[%swap3A_208, %swap3A_209, %swap3A_210], %swap3A_213 {strides = array<i32>} : memref<8x128x64xf32, #tpu.memory_space<vmem>>, vector<1x1x16xf32>,
      %swap3A_214 = arith.constant 6 : i32
      %swap3A_215 = arith.index_cast %swap3A_214 : i32 to index
      %swap3A_216 = arith.index_cast %scan3A_39 : i32 to index
      %swap3A_217 = arith.constant 16 : index
      %swap3A_218 = tpu.vector_load %arg7[%swap3A_215, %swap3A_216, %swap3A_217] {strides = array<i32>} : memref<8x128x64xf32, #tpu.memory_space<vmem>>, vector<1x1x16xf32>,
      %swap3A_219 = vector.shape_cast %swap3A_218 : vector<1x1x16xf32> to vector<16xf32>
      %swap3A_220 = vector.shape_cast %broadcast_in_dim3A_3 : vector<16xf32> to vector<1x1x16xf32>
      tpu.vector_store %arg7[%swap3A_215, %swap3A_216, %swap3A_217], %swap3A_220 {strides = array<i32>} : memref<8x128x64xf32, #tpu.memory_space<vmem>>, vector<1x1x16xf32>,
      %swap3A_221 = arith.constant 6 : i32
      %swap3A_222 = arith.index_cast %swap3A_221 : i32 to index
      %swap3A_223 = arith.index_cast %scan3A_39 : i32 to index
      %swap3A_224 = arith.constant 32 : index
      %swap3A_225 = tpu.vector_load %arg7[%swap3A_222, %swap3A_223, %swap3A_224] {strides = array<i32>} : memref<8x128x64xf32, #tpu.memory_space<vmem>>, vector<1x1x16xf32>,
      %swap3A_226 = vector.shape_cast %swap3A_225 : vector<1x1x16xf32> to vector<16xf32>
      %swap3A_227 = vector.shape_cast %broadcast_in_dim3A_3 : vector<16xf32> to vector<1x1x16xf32>
      tpu.vector_store %arg7[%swap3A_222, %swap3A_223, %swap3A_224], %swap3A_227 {strides = array<i32>} : memref<8x128x64xf32, #tpu.memory_space<vmem>>, vector<1x1x16xf32>,
      %swap3A_228 = arith.constant 6 : i32
      %swap3A_229 = arith.index_cast %swap3A_228 : i32 to index
      %swap3A_230 = arith.index_cast %scan3A_39 : i32 to index
      %swap3A_231 = arith.constant 48 : index
      %swap3A_232 = tpu.vector_load %arg7[%swap3A_229, %swap3A_230, %swap3A_231] {strides = array<i32>} : memref<8x128x64xf32, #tpu.memory_space<vmem>>, vector<1x1x16xf32>,
      %swap3A_233 = vector.shape_cast %swap3A_232 : vector<1x1x16xf32> to vector<16xf32>
      %swap3A_234 = vector.shape_cast %broadcast_in_dim3A_3 : vector<16xf32> to vector<1x1x16xf32>
      tpu.vector_store %arg7[%swap3A_229, %swap3A_230, %swap3A_231], %swap3A_234 {strides = array<i32>} : memref<8x128x64xf32, #tpu.memory_space<vmem>>, vector<1x1x16xf32>,
      %swap3A_235 = arith.constant 7 : i32
      %swap3A_236 = arith.index_cast %swap3A_235 : i32 to index
      %swap3A_237 = arith.index_cast %scan3A_39 : i32 to index
      %swap3A_238 = arith.constant 0 : index
      %swap3A_239 = tpu.vector_load %arg7[%swap3A_236, %swap3A_237, %swap3A_238] {strides = array<i32>} : memref<8x128x64xf32, #tpu.memory_space<vmem>>, vector<1x1x16xf32>,
      %swap3A_240 = vector.shape_cast %swap3A_239 : vector<1x1x16xf32> to vector<16xf32>
      %swap3A_241 = vector.shape_cast %broadcast_in_dim3A_3 : vector<16xf32> to vector<1x1x16xf32>
      tpu.vector_store %arg7[%swap3A_236, %swap3A_237, %swap3A_238], %swap3A_241 {strides = array<i32>} : memref<8x128x64xf32, #tpu.memory_space<vmem>>, vector<1x1x16xf32>,
      %swap3A_242 = arith.constant 7 : i32
      %swap3A_243 = arith.index_cast %swap3A_242 : i32 to index
      %swap3A_244 = arith.index_cast %scan3A_39 : i32 to index
      %swap3A_245 = arith.constant 16 : index
      %swap3A_246 = tpu.vector_load %arg7[%swap3A_243, %swap3A_244, %swap3A_245] {strides = array<i32>} : memref<8x128x64xf32, #tpu.memory_space<vmem>>, vector<1x1x16xf32>,
      %swap3A_247 = vector.shape_cast %swap3A_246 : vector<1x1x16xf32> to vector<16xf32>
      %swap3A_248 = vector.shape_cast %broadcast_in_dim3A_3 : vector<16xf32> to vector<1x1x16xf32>
      tpu.vector_store %arg7[%swap3A_243, %swap3A_244, %swap3A_245], %swap3A_248 {strides = array<i32>} : memref<8x128x64xf32, #tpu.memory_space<vmem>>, vector<1x1x16xf32>,
      %swap3A_249 = arith.constant 7 : i32
      %swap3A_250 = arith.index_cast %swap3A_249 : i32 to index
      %swap3A_251 = arith.index_cast %scan3A_39 : i32 to index
      %swap3A_252 = arith.constant 32 : index
      %swap3A_253 = tpu.vector_load %arg7[%swap3A_250, %swap3A_251, %swap3A_252] {strides = array<i32>} : memref<8x128x64xf32, #tpu.memory_space<vmem>>, vector<1x1x16xf32>,
      %swap3A_254 = vector.shape_cast %swap3A_253 : vector<1x1x16xf32> to vector<16xf32>
      %swap3A_255 = vector.shape_cast %broadcast_in_dim3A_3 : vector<16xf32> to vector<1x1x16xf32>
      tpu.vector_store %arg7[%swap3A_250, %swap3A_251, %swap3A_252], %swap3A_255 {strides = array<i32>} : memref<8x128x64xf32, #tpu.memory_space<vmem>>, vector<1x1x16xf32>,
      %swap3A_256 = arith.constant 7 : i32
      %swap3A_257 = arith.index_cast %swap3A_256 : i32 to index
      %swap3A_258 = arith.index_cast %scan3A_39 : i32 to index
      %swap3A_259 = arith.constant 48 : index
      %swap3A_260 = tpu.vector_load %arg7[%swap3A_257, %swap3A_258, %swap3A_259] {strides = array<i32>} : memref<8x128x64xf32, #tpu.memory_space<vmem>>, vector<1x1x16xf32>,
      %swap3A_261 = vector.shape_cast %swap3A_260 : vector<1x1x16xf32> to vector<16xf32>
      %swap3A_262 = vector.shape_cast %broadcast_in_dim3A_3 : vector<16xf32> to vector<1x1x16xf32>
      tpu.vector_store %arg7[%swap3A_257, %swap3A_258, %swap3A_259], %swap3A_262 {strides = array<i32>} : memref<8x128x64xf32, #tpu.memory_space<vmem>>, vector<1x1x16xf32>,
    }
    %scan3A_8 = arith.constant 128 : i32
    %scan3A_9 = arith.constant 0 : i32
    %scan3A_10 = arith.constant 0 : i32
    %scan3A_11 = arith.constant 25 : i32
    %scan3A_12 = arith.addi %scan3A_10, %scan3A_11 : i32
    %scan3A_13 = arith.constant 1 : i32
    scf.for %scan3A_39 = %scan3A_10 to %scan3A_12 step %scan3A_13  : i32 {
      %mul3A_40 = arith.constant 8 : i32
      %mul3A_41 = arith.muli %scan3A_39, %mul3A_40 : i32
      %add3A_42 = arith.constant 0 : i32
      %add3A_43 = arith.addi %mul3A_41, %add3A_42 : i32
      %dma_start3A = arith.constant 0 : i32
      %dma_start3A_44 = arith.constant 0 : i32
      %dma_start3A_45 = arith.constant 0 : i32
      %dma_start3A_46 = tpu.memref_slice %arg7[%dma_start3A, %dma_start3A_44, %dma_start3A_45] : memref<8x128x64xf32, #tpu.memory_space<vmem>> -> memref<1x128x64xf32, #tpu.memory_space<vmem>>
      %dma_start3A_47 = tpu.memref_squeeze %dma_start3A_46 : memref<1x128x64xf32, #tpu.memory_space<vmem>> -> memref<128x64xf32, #tpu.memory_space<vmem>>
      %dma_start3A_48 = arith.constant 0 : i32
      %dma_start3A_49 = tpu.memref_slice %arg6[%add3A_43, %dma_start3A_48] : memref<200x128xi32, #tpu.memory_space<vmem>> -> memref<1x128xi32, #tpu.memory_space<vmem>>
      %dma_start3A_50 = tpu.memref_squeeze %dma_start3A_49 : memref<1x128xi32, #tpu.memory_space<vmem>> -> memref<128xi32, #tpu.memory_space<vmem>>
      %dma_start3A_51 = arith.constant 0 : i32
      %dma_start3A_52 = arith.constant 0 : i32
      %dma_start3A_53 = tpu.memref_slice %arg3[%dma_start3A_51, %dma_start3A_52] : memref<1013760x64xf32, #tpu.memory_space<hbm>> -> memref<1013760x64xf32, #tpu.memory_space<hbm>>
      tpu.enqueue_indirect_dma source(%dma_start3A_53 : memref<1013760x64xf32, #tpu.memory_space<hbm>>) target(%dma_start3A_47 : memref<128x64xf32, #tpu.memory_space<vmem>>) offsets(%dma_start3A_50 : memref<128xi32, #tpu.memory_space<vmem>>) semaphore(%arg10 : memref<!tpu.dma_semaphore, #tpu.memory_space<semaphore_mem>>) {add = true}
      %add3A_54 = arith.constant 1 : i32
      %add3A_55 = arith.addi %mul3A_41, %add3A_54 : i32
      %dma_start3A_56 = arith.constant 1 : i32
      %dma_start3A_57 = arith.constant 0 : i32
      %dma_start3A_58 = arith.constant 0 : i32
      %dma_start3A_59 = tpu.memref_slice %arg7[%dma_start3A_56, %dma_start3A_57, %dma_start3A_58] : memref<8x128x64xf32, #tpu.memory_space<vmem>> -> memref<1x128x64xf32, #tpu.memory_space<vmem>>
      %dma_start3A_60 = tpu.memref_squeeze %dma_start3A_59 : memref<1x128x64xf32, #tpu.memory_space<vmem>> -> memref<128x64xf32, #tpu.memory_space<vmem>>
      %dma_start3A_61 = arith.constant 0 : i32
      %dma_start3A_62 = tpu.memref_slice %arg6[%add3A_55, %dma_start3A_61] : memref<200x128xi32, #tpu.memory_space<vmem>> -> memref<1x128xi32, #tpu.memory_space<vmem>>
      %dma_start3A_63 = tpu.memref_squeeze %dma_start3A_62 : memref<1x128xi32, #tpu.memory_space<vmem>> -> memref<128xi32, #tpu.memory_space<vmem>>
      %dma_start3A_64 = arith.constant 0 : i32
      %dma_start3A_65 = arith.constant 0 : i32
      %dma_start3A_66 = tpu.memref_slice %arg3[%dma_start3A_64, %dma_start3A_65] : memref<1013760x64xf32, #tpu.memory_space<hbm>> -> memref<1013760x64xf32, #tpu.memory_space<hbm>>
      tpu.enqueue_indirect_dma source(%dma_start3A_66 : memref<1013760x64xf32, #tpu.memory_space<hbm>>) target(%dma_start3A_60 : memref<128x64xf32, #tpu.memory_space<vmem>>) offsets(%dma_start3A_63 : memref<128xi32, #tpu.memory_space<vmem>>) semaphore(%arg11 : memref<!tpu.dma_semaphore, #tpu.memory_space<semaphore_mem>>) {add = true}
      %add3A_67 = arith.constant 2 : i32
      %add3A_68 = arith.addi %mul3A_41, %add3A_67 : i32
      %dma_start3A_69 = arith.constant 2 : i32
      %dma_start3A_70 = arith.constant 0 : i32
      %dma_start3A_71 = arith.constant 0 : i32
      %dma_start3A_72 = tpu.memref_slice %arg7[%dma_start3A_69, %dma_start3A_70, %dma_start3A_71] : memref<8x128x64xf32, #tpu.memory_space<vmem>> -> memref<1x128x64xf32, #tpu.memory_space<vmem>>
      %dma_start3A_73 = tpu.memref_squeeze %dma_start3A_72 : memref<1x128x64xf32, #tpu.memory_space<vmem>> -> memref<128x64xf32, #tpu.memory_space<vmem>>
      %dma_start3A_74 = arith.constant 0 : i32
      %dma_start3A_75 = tpu.memref_slice %arg6[%add3A_68, %dma_start3A_74] : memref<200x128xi32, #tpu.memory_space<vmem>> -> memref<1x128xi32, #tpu.memory_space<vmem>>
      %dma_start3A_76 = tpu.memref_squeeze %dma_start3A_75 : memref<1x128xi32, #tpu.memory_space<vmem>> -> memref<128xi32, #tpu.memory_space<vmem>>
      %dma_start3A_77 = arith.constant 0 : i32
      %dma_start3A_78 = arith.constant 0 : i32
      %dma_start3A_79 = tpu.memref_slice %arg3[%dma_start3A_77, %dma_start3A_78] : memref<1013760x64xf32, #tpu.memory_space<hbm>> -> memref<1013760x64xf32, #tpu.memory_space<hbm>>
      tpu.enqueue_indirect_dma source(%dma_start3A_79 : memref<1013760x64xf32, #tpu.memory_space<hbm>>) target(%dma_start3A_73 : memref<128x64xf32, #tpu.memory_space<vmem>>) offsets(%dma_start3A_76 : memref<128xi32, #tpu.memory_space<vmem>>) semaphore(%arg12 : memref<!tpu.dma_semaphore, #tpu.memory_space<semaphore_mem>>) {add = true}
      %add3A_80 = arith.constant 3 : i32
      %add3A_81 = arith.addi %mul3A_41, %add3A_80 : i32
      %dma_start3A_82 = arith.constant 3 : i32
      %dma_start3A_83 = arith.constant 0 : i32
      %dma_start3A_84 = arith.constant 0 : i32
      %dma_start3A_85 = tpu.memref_slice %arg7[%dma_start3A_82, %dma_start3A_83, %dma_start3A_84] : memref<8x128x64xf32, #tpu.memory_space<vmem>> -> memref<1x128x64xf32, #tpu.memory_space<vmem>>
      %dma_start3A_86 = tpu.memref_squeeze %dma_start3A_85 : memref<1x128x64xf32, #tpu.memory_space<vmem>> -> memref<128x64xf32, #tpu.memory_space<vmem>>
      %dma_start3A_87 = arith.constant 0 : i32
      %dma_start3A_88 = tpu.memref_slice %arg6[%add3A_81, %dma_start3A_87] : memref<200x128xi32, #tpu.memory_space<vmem>> -> memref<1x128xi32, #tpu.memory_space<vmem>>
      %dma_start3A_89 = tpu.memref_squeeze %dma_start3A_88 : memref<1x128xi32, #tpu.memory_space<vmem>> -> memref<128xi32, #tpu.memory_space<vmem>>
      %dma_start3A_90 = arith.constant 0 : i32
      %dma_start3A_91 = arith.constant 0 : i32
      %dma_start3A_92 = tpu.memref_slice %arg3[%dma_start3A_90, %dma_start3A_91] : memref<1013760x64xf32, #tpu.memory_space<hbm>> -> memref<1013760x64xf32, #tpu.memory_space<hbm>>
      tpu.enqueue_indirect_dma source(%dma_start3A_92 : memref<1013760x64xf32, #tpu.memory_space<hbm>>) target(%dma_start3A_86 : memref<128x64xf32, #tpu.memory_space<vmem>>) offsets(%dma_start3A_89 : memref<128xi32, #tpu.memory_space<vmem>>) semaphore(%arg13 : memref<!tpu.dma_semaphore, #tpu.memory_space<semaphore_mem>>) {add = true}
      %add3A_93 = arith.constant 4 : i32
      %add3A_94 = arith.addi %mul3A_41, %add3A_93 : i32
      %dma_start3A_95 = arith.constant 4 : i32
      %dma_start3A_96 = arith.constant 0 : i32
      %dma_start3A_97 = arith.constant 0 : i32
      %dma_start3A_98 = tpu.memref_slice %arg7[%dma_start3A_95, %dma_start3A_96, %dma_start3A_97] : memref<8x128x64xf32, #tpu.memory_space<vmem>> -> memref<1x128x64xf32, #tpu.memory_space<vmem>>
      %dma_start3A_99 = tpu.memref_squeeze %dma_start3A_98 : memref<1x128x64xf32, #tpu.memory_space<vmem>> -> memref<128x64xf32, #tpu.memory_space<vmem>>
      %dma_start3A_100 = arith.constant 0 : i32
      %dma_start3A_101 = tpu.memref_slice %arg6[%add3A_94, %dma_start3A_100] : memref<200x128xi32, #tpu.memory_space<vmem>> -> memref<1x128xi32, #tpu.memory_space<vmem>>
      %dma_start3A_102 = tpu.memref_squeeze %dma_start3A_101 : memref<1x128xi32, #tpu.memory_space<vmem>> -> memref<128xi32, #tpu.memory_space<vmem>>
      %dma_start3A_103 = arith.constant 0 : i32
      %dma_start3A_104 = arith.constant 0 : i32
      %dma_start3A_105 = tpu.memref_slice %arg3[%dma_start3A_103, %dma_start3A_104] : memref<1013760x64xf32, #tpu.memory_space<hbm>> -> memref<1013760x64xf32, #tpu.memory_space<hbm>>
      tpu.enqueue_indirect_dma source(%dma_start3A_105 : memref<1013760x64xf32, #tpu.memory_space<hbm>>) target(%dma_start3A_99 : memref<128x64xf32, #tpu.memory_space<vmem>>) offsets(%dma_start3A_102 : memref<128xi32, #tpu.memory_space<vmem>>) semaphore(%arg14 : memref<!tpu.dma_semaphore, #tpu.memory_space<semaphore_mem>>) {add = true}
      %add3A_106 = arith.constant 5 : i32
      %add3A_107 = arith.addi %mul3A_41, %add3A_106 : i32
      %dma_start3A_108 = arith.constant 5 : i32
      %dma_start3A_109 = arith.constant 0 : i32
      %dma_start3A_110 = arith.constant 0 : i32
      %dma_start3A_111 = tpu.memref_slice %arg7[%dma_start3A_108, %dma_start3A_109, %dma_start3A_110] : memref<8x128x64xf32, #tpu.memory_space<vmem>> -> memref<1x128x64xf32, #tpu.memory_space<vmem>>
      %dma_start3A_112 = tpu.memref_squeeze %dma_start3A_111 : memref<1x128x64xf32, #tpu.memory_space<vmem>> -> memref<128x64xf32, #tpu.memory_space<vmem>>
      %dma_start3A_113 = arith.constant 0 : i32
      %dma_start3A_114 = tpu.memref_slice %arg6[%add3A_107, %dma_start3A_113] : memref<200x128xi32, #tpu.memory_space<vmem>> -> memref<1x128xi32, #tpu.memory_space<vmem>>
      %dma_start3A_115 = tpu.memref_squeeze %dma_start3A_114 : memref<1x128xi32, #tpu.memory_space<vmem>> -> memref<128xi32, #tpu.memory_space<vmem>>
      %dma_start3A_116 = arith.constant 0 : i32
      %dma_start3A_117 = arith.constant 0 : i32
      %dma_start3A_118 = tpu.memref_slice %arg3[%dma_start3A_116, %dma_start3A_117] : memref<1013760x64xf32, #tpu.memory_space<hbm>> -> memref<1013760x64xf32, #tpu.memory_space<hbm>>
      tpu.enqueue_indirect_dma source(%dma_start3A_118 : memref<1013760x64xf32, #tpu.memory_space<hbm>>) target(%dma_start3A_112 : memref<128x64xf32, #tpu.memory_space<vmem>>) offsets(%dma_start3A_115 : memref<128xi32, #tpu.memory_space<vmem>>) semaphore(%arg15 : memref<!tpu.dma_semaphore, #tpu.memory_space<semaphore_mem>>) {add = true}
      %add3A_119 = arith.constant 6 : i32
      %add3A_120 = arith.addi %mul3A_41, %add3A_119 : i32
      %dma_start3A_121 = arith.constant 6 : i32
      %dma_start3A_122 = arith.constant 0 : i32
      %dma_start3A_123 = arith.constant 0 : i32
      %dma_start3A_124 = tpu.memref_slice %arg7[%dma_start3A_121, %dma_start3A_122, %dma_start3A_123] : memref<8x128x64xf32, #tpu.memory_space<vmem>> -> memref<1x128x64xf32, #tpu.memory_space<vmem>>
      %dma_start3A_125 = tpu.memref_squeeze %dma_start3A_124 : memref<1x128x64xf32, #tpu.memory_space<vmem>> -> memref<128x64xf32, #tpu.memory_space<vmem>>
      %dma_start3A_126 = arith.constant 0 : i32
      %dma_start3A_127 = tpu.memref_slice %arg6[%add3A_120, %dma_start3A_126] : memref<200x128xi32, #tpu.memory_space<vmem>> -> memref<1x128xi32, #tpu.memory_space<vmem>>
      %dma_start3A_128 = tpu.memref_squeeze %dma_start3A_127 : memref<1x128xi32, #tpu.memory_space<vmem>> -> memref<128xi32, #tpu.memory_space<vmem>>
      %dma_start3A_129 = arith.constant 0 : i32
      %dma_start3A_130 = arith.constant 0 : i32
      %dma_start3A_131 = tpu.memref_slice %arg3[%dma_start3A_129, %dma_start3A_130] : memref<1013760x64xf32, #tpu.memory_space<hbm>> -> memref<1013760x64xf32, #tpu.memory_space<hbm>>
      tpu.enqueue_indirect_dma source(%dma_start3A_131 : memref<1013760x64xf32, #tpu.memory_space<hbm>>) target(%dma_start3A_125 : memref<128x64xf32, #tpu.memory_space<vmem>>) offsets(%dma_start3A_128 : memref<128xi32, #tpu.memory_space<vmem>>) semaphore(%arg16 : memref<!tpu.dma_semaphore, #tpu.memory_space<semaphore_mem>>) {add = true}
      %add3A_132 = arith.constant 7 : i32
      %add3A_133 = arith.addi %mul3A_41, %add3A_132 : i32
      %dma_start3A_134 = arith.constant 7 : i32
      %dma_start3A_135 = arith.constant 0 : i32
      %dma_start3A_136 = arith.constant 0 : i32
      %dma_start3A_137 = tpu.memref_slice %arg7[%dma_start3A_134, %dma_start3A_135, %dma_start3A_136] : memref<8x128x64xf32, #tpu.memory_space<vmem>> -> memref<1x128x64xf32, #tpu.memory_space<vmem>>
      %dma_start3A_138 = tpu.memref_squeeze %dma_start3A_137 : memref<1x128x64xf32, #tpu.memory_space<vmem>> -> memref<128x64xf32, #tpu.memory_space<vmem>>
      %dma_start3A_139 = arith.constant 0 : i32
      %dma_start3A_140 = tpu.memref_slice %arg6[%add3A_133, %dma_start3A_139] : memref<200x128xi32, #tpu.memory_space<vmem>> -> memref<1x128xi32, #tpu.memory_space<vmem>>
      %dma_start3A_141 = tpu.memref_squeeze %dma_start3A_140 : memref<1x128xi32, #tpu.memory_space<vmem>> -> memref<128xi32, #tpu.memory_space<vmem>>
      %dma_start3A_142 = arith.constant 0 : i32
      %dma_start3A_143 = arith.constant 0 : i32
      %dma_start3A_144 = tpu.memref_slice %arg3[%dma_start3A_142, %dma_start3A_143] : memref<1013760x64xf32, #tpu.memory_space<hbm>> -> memref<1013760x64xf32, #tpu.memory_space<hbm>>
      tpu.enqueue_indirect_dma source(%dma_start3A_144 : memref<1013760x64xf32, #tpu.memory_space<hbm>>) target(%dma_start3A_138 : memref<128x64xf32, #tpu.memory_space<vmem>>) offsets(%dma_start3A_141 : memref<128xi32, #tpu.memory_space<vmem>>) semaphore(%arg17 : memref<!tpu.dma_semaphore, #tpu.memory_space<semaphore_mem>>) {add = true}
    }
    %scan3A_14 = arith.constant 25 : i32
    %scan3A_15 = arith.constant 0 : i32
    %scan3A_16 = arith.constant 0 : i32
    %scan3A_17 = arith.constant 25 : i32
    %scan3A_18 = arith.addi %scan3A_16, %scan3A_17 : i32
    %scan3A_19 = arith.constant 1 : i32
    scf.for %scan3A_39 = %scan3A_16 to %scan3A_18 step %scan3A_19  : i32 {
      %dma_wait3A = arith.constant 0 : i32
      %dma_wait3A_40 = arith.constant 0 : i32
      %dma_wait3A_41 = arith.constant 0 : i32
      %dma_wait3A_42 = arith.constant 0 : i32
      %dma_wait3A_43 = tpu.memref_slice %arg7[%dma_wait3A_40, %dma_wait3A_41, %dma_wait3A_42] : memref<8x128x64xf32, #tpu.memory_space<vmem>> -> memref<1x128x64xf32, #tpu.memory_space<vmem>>
      %dma_wait3A_44 = tpu.memref_squeeze %dma_wait3A_43 : memref<1x128x64xf32, #tpu.memory_space<vmem>> -> memref<128x64xf32, #tpu.memory_space<vmem>>
      %dma_wait3A_45 = arith.constant 0 : i32
      %dma_wait3A_46 = tpu.memref_slice %arg6[%dma_wait3A, %dma_wait3A_45] : memref<200x128xi32, #tpu.memory_space<vmem>> -> memref<1x128xi32, #tpu.memory_space<vmem>>
      %dma_wait3A_47 = tpu.memref_squeeze %dma_wait3A_46 : memref<1x128xi32, #tpu.memory_space<vmem>> -> memref<128xi32, #tpu.memory_space<vmem>>
      %dma_wait3A_48 = arith.constant 0 : i32
      %dma_wait3A_49 = arith.constant 0 : i32
      %dma_wait3A_50 = tpu.memref_slice %arg3[%dma_wait3A_48, %dma_wait3A_49] : memref<1013760x64xf32, #tpu.memory_space<hbm>> -> memref<1013760x64xf32, #tpu.memory_space<hbm>>
      tpu.wait_indirect_dma semaphore(%arg10 : memref<!tpu.dma_semaphore, #tpu.memory_space<semaphore_mem>>) src(%dma_wait3A_50 : memref<1013760x64xf32, #tpu.memory_space<hbm>>) dst(%dma_wait3A_44 : memref<128x64xf32, #tpu.memory_space<vmem>>)
      %dma_wait3A_51 = arith.constant 0 : i32
      %dma_wait3A_52 = arith.constant 1 : i32
      %dma_wait3A_53 = arith.constant 0 : i32
      %dma_wait3A_54 = arith.constant 0 : i32
      %dma_wait3A_55 = tpu.memref_slice %arg7[%dma_wait3A_52, %dma_wait3A_53, %dma_wait3A_54] : memref<8x128x64xf32, #tpu.memory_space<vmem>> -> memref<1x128x64xf32, #tpu.memory_space<vmem>>
      %dma_wait3A_56 = tpu.memref_squeeze %dma_wait3A_55 : memref<1x128x64xf32, #tpu.memory_space<vmem>> -> memref<128x64xf32, #tpu.memory_space<vmem>>
      %dma_wait3A_57 = arith.constant 0 : i32
      %dma_wait3A_58 = tpu.memref_slice %arg6[%dma_wait3A_51, %dma_wait3A_57] : memref<200x128xi32, #tpu.memory_space<vmem>> -> memref<1x128xi32, #tpu.memory_space<vmem>>
      %dma_wait3A_59 = tpu.memref_squeeze %dma_wait3A_58 : memref<1x128xi32, #tpu.memory_space<vmem>> -> memref<128xi32, #tpu.memory_space<vmem>>
      %dma_wait3A_60 = arith.constant 0 : i32
      %dma_wait3A_61 = arith.constant 0 : i32
      %dma_wait3A_62 = tpu.memref_slice %arg3[%dma_wait3A_60, %dma_wait3A_61] : memref<1013760x64xf32, #tpu.memory_space<hbm>> -> memref<1013760x64xf32, #tpu.memory_space<hbm>>
      tpu.wait_indirect_dma semaphore(%arg11 : memref<!tpu.dma_semaphore, #tpu.memory_space<semaphore_mem>>) src(%dma_wait3A_62 : memref<1013760x64xf32, #tpu.memory_space<hbm>>) dst(%dma_wait3A_56 : memref<128x64xf32, #tpu.memory_space<vmem>>)
      %dma_wait3A_63 = arith.constant 0 : i32
      %dma_wait3A_64 = arith.constant 2 : i32
      %dma_wait3A_65 = arith.constant 0 : i32
      %dma_wait3A_66 = arith.constant 0 : i32
      %dma_wait3A_67 = tpu.memref_slice %arg7[%dma_wait3A_64, %dma_wait3A_65, %dma_wait3A_66] : memref<8x128x64xf32, #tpu.memory_space<vmem>> -> memref<1x128x64xf32, #tpu.memory_space<vmem>>
      %dma_wait3A_68 = tpu.memref_squeeze %dma_wait3A_67 : memref<1x128x64xf32, #tpu.memory_space<vmem>> -> memref<128x64xf32, #tpu.memory_space<vmem>>
      %dma_wait3A_69 = arith.constant 0 : i32
      %dma_wait3A_70 = tpu.memref_slice %arg6[%dma_wait3A_63, %dma_wait3A_69] : memref<200x128xi32, #tpu.memory_space<vmem>> -> memref<1x128xi32, #tpu.memory_space<vmem>>
      %dma_wait3A_71 = tpu.memref_squeeze %dma_wait3A_70 : memref<1x128xi32, #tpu.memory_space<vmem>> -> memref<128xi32, #tpu.memory_space<vmem>>
      %dma_wait3A_72 = arith.constant 0 : i32
      %dma_wait3A_73 = arith.constant 0 : i32
      %dma_wait3A_74 = tpu.memref_slice %arg3[%dma_wait3A_72, %dma_wait3A_73] : memref<1013760x64xf32, #tpu.memory_space<hbm>> -> memref<1013760x64xf32, #tpu.memory_space<hbm>>
      tpu.wait_indirect_dma semaphore(%arg12 : memref<!tpu.dma_semaphore, #tpu.memory_space<semaphore_mem>>) src(%dma_wait3A_74 : memref<1013760x64xf32, #tpu.memory_space<hbm>>) dst(%dma_wait3A_68 : memref<128x64xf32, #tpu.memory_space<vmem>>)
      %dma_wait3A_75 = arith.constant 0 : i32
      %dma_wait3A_76 = arith.constant 3 : i32
      %dma_wait3A_77 = arith.constant 0 : i32
      %dma_wait3A_78 = arith.constant 0 : i32
      %dma_wait3A_79 = tpu.memref_slice %arg7[%dma_wait3A_76, %dma_wait3A_77, %dma_wait3A_78] : memref<8x128x64xf32, #tpu.memory_space<vmem>> -> memref<1x128x64xf32, #tpu.memory_space<vmem>>
      %dma_wait3A_80 = tpu.memref_squeeze %dma_wait3A_79 : memref<1x128x64xf32, #tpu.memory_space<vmem>> -> memref<128x64xf32, #tpu.memory_space<vmem>>
      %dma_wait3A_81 = arith.constant 0 : i32
      %dma_wait3A_82 = tpu.memref_slice %arg6[%dma_wait3A_75, %dma_wait3A_81] : memref<200x128xi32, #tpu.memory_space<vmem>> -> memref<1x128xi32, #tpu.memory_space<vmem>>
      %dma_wait3A_83 = tpu.memref_squeeze %dma_wait3A_82 : memref<1x128xi32, #tpu.memory_space<vmem>> -> memref<128xi32, #tpu.memory_space<vmem>>
      %dma_wait3A_84 = arith.constant 0 : i32
      %dma_wait3A_85 = arith.constant 0 : i32
      %dma_wait3A_86 = tpu.memref_slice %arg3[%dma_wait3A_84, %dma_wait3A_85] : memref<1013760x64xf32, #tpu.memory_space<hbm>> -> memref<1013760x64xf32, #tpu.memory_space<hbm>>
      tpu.wait_indirect_dma semaphore(%arg13 : memref<!tpu.dma_semaphore, #tpu.memory_space<semaphore_mem>>) src(%dma_wait3A_86 : memref<1013760x64xf32, #tpu.memory_space<hbm>>) dst(%dma_wait3A_80 : memref<128x64xf32, #tpu.memory_space<vmem>>)
      %dma_wait3A_87 = arith.constant 0 : i32
      %dma_wait3A_88 = arith.constant 4 : i32
      %dma_wait3A_89 = arith.constant 0 : i32
      %dma_wait3A_90 = arith.constant 0 : i32
      %dma_wait3A_91 = tpu.memref_slice %arg7[%dma_wait3A_88, %dma_wait3A_89, %dma_wait3A_90] : memref<8x128x64xf32, #tpu.memory_space<vmem>> -> memref<1x128x64xf32, #tpu.memory_space<vmem>>
      %dma_wait3A_92 = tpu.memref_squeeze %dma_wait3A_91 : memref<1x128x64xf32, #tpu.memory_space<vmem>> -> memref<128x64xf32, #tpu.memory_space<vmem>>
      %dma_wait3A_93 = arith.constant 0 : i32
      %dma_wait3A_94 = tpu.memref_slice %arg6[%dma_wait3A_87, %dma_wait3A_93] : memref<200x128xi32, #tpu.memory_space<vmem>> -> memref<1x128xi32, #tpu.memory_space<vmem>>
      %dma_wait3A_95 = tpu.memref_squeeze %dma_wait3A_94 : memref<1x128xi32, #tpu.memory_space<vmem>> -> memref<128xi32, #tpu.memory_space<vmem>>
      %dma_wait3A_96 = arith.constant 0 : i32
      %dma_wait3A_97 = arith.constant 0 : i32
      %dma_wait3A_98 = tpu.memref_slice %arg3[%dma_wait3A_96, %dma_wait3A_97] : memref<1013760x64xf32, #tpu.memory_space<hbm>> -> memref<1013760x64xf32, #tpu.memory_space<hbm>>
      tpu.wait_indirect_dma semaphore(%arg14 : memref<!tpu.dma_semaphore, #tpu.memory_space<semaphore_mem>>) src(%dma_wait3A_98 : memref<1013760x64xf32, #tpu.memory_space<hbm>>) dst(%dma_wait3A_92 : memref<128x64xf32, #tpu.memory_space<vmem>>)
      %dma_wait3A_99 = arith.constant 0 : i32
      %dma_wait3A_100 = arith.constant 5 : i32
      %dma_wait3A_101 = arith.constant 0 : i32
      %dma_wait3A_102 = arith.constant 0 : i32
      %dma_wait3A_103 = tpu.memref_slice %arg7[%dma_wait3A_100, %dma_wait3A_101, %dma_wait3A_102] : memref<8x128x64xf32, #tpu.memory_space<vmem>> -> memref<1x128x64xf32, #tpu.memory_space<vmem>>
      %dma_wait3A_104 = tpu.memref_squeeze %dma_wait3A_103 : memref<1x128x64xf32, #tpu.memory_space<vmem>> -> memref<128x64xf32, #tpu.memory_space<vmem>>
      %dma_wait3A_105 = arith.constant 0 : i32
      %dma_wait3A_106 = tpu.memref_slice %arg6[%dma_wait3A_99, %dma_wait3A_105] : memref<200x128xi32, #tpu.memory_space<vmem>> -> memref<1x128xi32, #tpu.memory_space<vmem>>
      %dma_wait3A_107 = tpu.memref_squeeze %dma_wait3A_106 : memref<1x128xi32, #tpu.memory_space<vmem>> -> memref<128xi32, #tpu.memory_space<vmem>>
      %dma_wait3A_108 = arith.constant 0 : i32
      %dma_wait3A_109 = arith.constant 0 : i32
      %dma_wait3A_110 = tpu.memref_slice %arg3[%dma_wait3A_108, %dma_wait3A_109] : memref<1013760x64xf32, #tpu.memory_space<hbm>> -> memref<1013760x64xf32, #tpu.memory_space<hbm>>
      tpu.wait_indirect_dma semaphore(%arg15 : memref<!tpu.dma_semaphore, #tpu.memory_space<semaphore_mem>>) src(%dma_wait3A_110 : memref<1013760x64xf32, #tpu.memory_space<hbm>>) dst(%dma_wait3A_104 : memref<128x64xf32, #tpu.memory_space<vmem>>)
      %dma_wait3A_111 = arith.constant 0 : i32
      %dma_wait3A_112 = arith.constant 6 : i32
      %dma_wait3A_113 = arith.constant 0 : i32
      %dma_wait3A_114 = arith.constant 0 : i32
      %dma_wait3A_115 = tpu.memref_slice %arg7[%dma_wait3A_112, %dma_wait3A_113, %dma_wait3A_114] : memref<8x128x64xf32, #tpu.memory_space<vmem>> -> memref<1x128x64xf32, #tpu.memory_space<vmem>>
      %dma_wait3A_116 = tpu.memref_squeeze %dma_wait3A_115 : memref<1x128x64xf32, #tpu.memory_space<vmem>> -> memref<128x64xf32, #tpu.memory_space<vmem>>
      %dma_wait3A_117 = arith.constant 0 : i32
      %dma_wait3A_118 = tpu.memref_slice %arg6[%dma_wait3A_111, %dma_wait3A_117] : memref<200x128xi32, #tpu.memory_space<vmem>> -> memref<1x128xi32, #tpu.memory_space<vmem>>
      %dma_wait3A_119 = tpu.memref_squeeze %dma_wait3A_118 : memref<1x128xi32, #tpu.memory_space<vmem>> -> memref<128xi32, #tpu.memory_space<vmem>>
      %dma_wait3A_120 = arith.constant 0 : i32
      %dma_wait3A_121 = arith.constant 0 : i32
      %dma_wait3A_122 = tpu.memref_slice %arg3[%dma_wait3A_120, %dma_wait3A_121] : memref<1013760x64xf32, #tpu.memory_space<hbm>> -> memref<1013760x64xf32, #tpu.memory_space<hbm>>
      tpu.wait_indirect_dma semaphore(%arg16 : memref<!tpu.dma_semaphore, #tpu.memory_space<semaphore_mem>>) src(%dma_wait3A_122 : memref<1013760x64xf32, #tpu.memory_space<hbm>>) dst(%dma_wait3A_116 : memref<128x64xf32, #tpu.memory_space<vmem>>)
      %dma_wait3A_123 = arith.constant 0 : i32
      %dma_wait3A_124 = arith.constant 7 : i32
      %dma_wait3A_125 = arith.constant 0 : i32
      %dma_wait3A_126 = arith.constant 0 : i32
      %dma_wait3A_127 = tpu.memref_slice %arg7[%dma_wait3A_124, %dma_wait3A_125, %dma_wait3A_126] : memref<8x128x64xf32, #tpu.memory_space<vmem>> -> memref<1x128x64xf32, #tpu.memory_space<vmem>>
      %dma_wait3A_128 = tpu.memref_squeeze %dma_wait3A_127 : memref<1x128x64xf32, #tpu.memory_space<vmem>> -> memref<128x64xf32, #tpu.memory_space<vmem>>
      %dma_wait3A_129 = arith.constant 0 : i32
      %dma_wait3A_130 = tpu.memref_slice %arg6[%dma_wait3A_123, %dma_wait3A_129] : memref<200x128xi32, #tpu.memory_space<vmem>> -> memref<1x128xi32, #tpu.memory_space<vmem>>
      %dma_wait3A_131 = tpu.memref_squeeze %dma_wait3A_130 : memref<1x128xi32, #tpu.memory_space<vmem>> -> memref<128xi32, #tpu.memory_space<vmem>>
      %dma_wait3A_132 = arith.constant 0 : i32
      %dma_wait3A_133 = arith.constant 0 : i32
      %dma_wait3A_134 = tpu.memref_slice %arg3[%dma_wait3A_132, %dma_wait3A_133] : memref<1013760x64xf32, #tpu.memory_space<hbm>> -> memref<1013760x64xf32, #tpu.memory_space<hbm>>
      tpu.wait_indirect_dma semaphore(%arg17 : memref<!tpu.dma_semaphore, #tpu.memory_space<semaphore_mem>>) src(%dma_wait3A_134 : memref<1013760x64xf32, #tpu.memory_space<hbm>>) dst(%dma_wait3A_128 : memref<128x64xf32, #tpu.memory_space<vmem>>)
    }
    %scan3A_20 = arith.constant 25 : i32
    %get3A = arith.constant 0 : index
    %get3A_21 = tpu.vector_load %arg9[%get3A] {strides = array<i32>} : memref<64xf32, #tpu.memory_space<vmem>>, vector<16xf32>,
    %get3A_22 = vector.shape_cast %get3A_21 : vector<16xf32> to vector<16xf32>
    %get3A_23 = arith.constant 16 : index
    %get3A_24 = tpu.vector_load %arg9[%get3A_23] {strides = array<i32>} : memref<64xf32, #tpu.memory_space<vmem>>, vector<16xf32>,
    %get3A_25 = vector.shape_cast %get3A_24 : vector<16xf32> to vector<16xf32>
    %get3A_26 = arith.constant 32 : index
    %get3A_27 = tpu.vector_load %arg9[%get3A_26] {strides = array<i32>} : memref<64xf32, #tpu.memory_space<vmem>>, vector<16xf32>,
    %get3A_28 = vector.shape_cast %get3A_27 : vector<16xf32> to vector<16xf32>
    %get3A_29 = arith.constant 48 : index
    %get3A_30 = tpu.vector_load %arg9[%get3A_29] {strides = array<i32>} : memref<64xf32, #tpu.memory_space<vmem>>, vector<16xf32>,
    %get3A_31 = vector.shape_cast %get3A_30 : vector<16xf32> to vector<16xf32>
    %scan3A_32 = arith.constant 0 : i32
    %scan3A_33 = arith.constant 5.000000e-03 : f32
    %scan3A_34 = arith.constant 0 : i32
    %scan3A_35 = arith.constant 128 : i32
    %scan3A_36 = arith.addi %scan3A_34, %scan3A_35 : i32
    %scan3A_37 = arith.constant 1 : i32
    scf.for %scan3A_39 = %scan3A_34 to %scan3A_36 step %scan3A_37  : i32 {
      %get3A_40 = arith.constant 0 : i32
      %get3A_41 = arith.index_cast %get3A_40 : i32 to index
      %get3A_42 = arith.index_cast %scan3A_39 : i32 to index
      %get3A_43 = arith.constant 0 : index
      %get3A_44 = tpu.vector_load %arg7[%get3A_41, %get3A_42, %get3A_43] {strides = array<i32>} : memref<8x128x64xf32, #tpu.memory_space<vmem>>, vector<1x1x16xf32>,
      %get3A_45 = vector.shape_cast %get3A_44 : vector<1x1x16xf32> to vector<16xf32>
      %get3A_46 = arith.constant 1 : i32
      %get3A_47 = arith.index_cast %get3A_46 : i32 to index
      %get3A_48 = arith.index_cast %scan3A_39 : i32 to index
      %get3A_49 = arith.constant 0 : index
      %get3A_50 = tpu.vector_load %arg7[%get3A_47, %get3A_48, %get3A_49] {strides = array<i32>} : memref<8x128x64xf32, #tpu.memory_space<vmem>>, vector<1x1x16xf32>,
      %get3A_51 = vector.shape_cast %get3A_50 : vector<1x1x16xf32> to vector<16xf32>
      %add3A_52 = arith.addf %get3A_45, %get3A_51 : vector<16xf32>
      %get3A_53 = arith.constant 2 : i32
      %get3A_54 = arith.index_cast %get3A_53 : i32 to index
      %get3A_55 = arith.index_cast %scan3A_39 : i32 to index
      %get3A_56 = arith.constant 0 : index
      %get3A_57 = tpu.vector_load %arg7[%get3A_54, %get3A_55, %get3A_56] {strides = array<i32>} : memref<8x128x64xf32, #tpu.memory_space<vmem>>, vector<1x1x16xf32>,
      %get3A_58 = vector.shape_cast %get3A_57 : vector<1x1x16xf32> to vector<16xf32>
      %get3A_59 = arith.constant 3 : i32
      %get3A_60 = arith.index_cast %get3A_59 : i32 to index
      %get3A_61 = arith.index_cast %scan3A_39 : i32 to index
      %get3A_62 = arith.constant 0 : index
      %get3A_63 = tpu.vector_load %arg7[%get3A_60, %get3A_61, %get3A_62] {strides = array<i32>} : memref<8x128x64xf32, #tpu.memory_space<vmem>>, vector<1x1x16xf32>,
      %get3A_64 = vector.shape_cast %get3A_63 : vector<1x1x16xf32> to vector<16xf32>
      %add3A_65 = arith.addf %get3A_58, %get3A_64 : vector<16xf32>
      %get3A_66 = arith.constant 4 : i32
      %get3A_67 = arith.index_cast %get3A_66 : i32 to index
      %get3A_68 = arith.index_cast %scan3A_39 : i32 to index
      %get3A_69 = arith.constant 0 : index
      %get3A_70 = tpu.vector_load %arg7[%get3A_67, %get3A_68, %get3A_69] {strides = array<i32>} : memref<8x128x64xf32, #tpu.memory_space<vmem>>, vector<1x1x16xf32>,
      %get3A_71 = vector.shape_cast %get3A_70 : vector<1x1x16xf32> to vector<16xf32>
      %get3A_72 = arith.constant 5 : i32
      %get3A_73 = arith.index_cast %get3A_72 : i32 to index
      %get3A_74 = arith.index_cast %scan3A_39 : i32 to index
      %get3A_75 = arith.constant 0 : index
      %get3A_76 = tpu.vector_load %arg7[%get3A_73, %get3A_74, %get3A_75] {strides = array<i32>} : memref<8x128x64xf32, #tpu.memory_space<vmem>>, vector<1x1x16xf32>,
      %get3A_77 = vector.shape_cast %get3A_76 : vector<1x1x16xf32> to vector<16xf32>
      %add3A_78 = arith.addf %get3A_71, %get3A_77 : vector<16xf32>
      %get3A_79 = arith.constant 6 : i32
      %get3A_80 = arith.index_cast %get3A_79 : i32 to index
      %get3A_81 = arith.index_cast %scan3A_39 : i32 to index
      %get3A_82 = arith.constant 0 : index
      %get3A_83 = tpu.vector_load %arg7[%get3A_80, %get3A_81, %get3A_82] {strides = array<i32>} : memref<8x128x64xf32, #tpu.memory_space<vmem>>, vector<1x1x16xf32>,
      %get3A_84 = vector.shape_cast %get3A_83 : vector<1x1x16xf32> to vector<16xf32>
      %get3A_85 = arith.constant 7 : i32
      %get3A_86 = arith.index_cast %get3A_85 : i32 to index
      %get3A_87 = arith.index_cast %scan3A_39 : i32 to index
      %get3A_88 = arith.constant 0 : index
      %get3A_89 = tpu.vector_load %arg7[%get3A_86, %get3A_87, %get3A_88] {strides = array<i32>} : memref<8x128x64xf32, #tpu.memory_space<vmem>>, vector<1x1x16xf32>,
      %get3A_90 = vector.shape_cast %get3A_89 : vector<1x1x16xf32> to vector<16xf32>
      %add3A_91 = arith.addf %get3A_84, %get3A_90 : vector<16xf32>
      %add3A_92 = arith.addf %add3A_52, %add3A_65 : vector<16xf32>
      %add3A_93 = arith.addf %add3A_78, %add3A_91 : vector<16xf32>
      %add3A_94 = arith.addf %add3A_92, %add3A_93 : vector<16xf32>
      %mul3A_95 = vector.broadcast %scan3A_33 : f32 to vector<16xf32>
      %mul3A_96 = arith.mulf %add3A_94, %mul3A_95 : vector<16xf32>
      %add3A_97 = arith.addf %mul3A_96, %get3A_22 : vector<16xf32>
      %swap3A = arith.index_cast %scan3A_39 : i32 to index
      %swap3A_98 = arith.constant 0 : index
      %swap3A_99 = tpu.vector_load %arg8[%swap3A, %swap3A_98] {strides = array<i32>} : memref<128x64xf32, #tpu.memory_space<vmem>>, vector<1x16xf32>,
      %swap3A_100 = vector.shape_cast %swap3A_99 : vector<1x16xf32> to vector<16xf32>
      %swap3A_101 = vector.shape_cast %add3A_97 : vector<16xf32> to vector<1x16xf32>
      tpu.vector_store %arg8[%swap3A, %swap3A_98], %swap3A_101 {strides = array<i32>} : memref<128x64xf32, #tpu.memory_space<vmem>>, vector<1x16xf32>,
      %get3A_102 = arith.constant 0 : i32
      %get3A_103 = arith.index_cast %get3A_102 : i32 to index
      %get3A_104 = arith.index_cast %scan3A_39 : i32 to index
      %get3A_105 = arith.constant 16 : index
      %get3A_106 = tpu.vector_load %arg7[%get3A_103, %get3A_104, %get3A_105] {strides = array<i32>} : memref<8x128x64xf32, #tpu.memory_space<vmem>>, vector<1x1x16xf32>,
      %get3A_107 = vector.shape_cast %get3A_106 : vector<1x1x16xf32> to vector<16xf32>
      %get3A_108 = arith.constant 1 : i32
      %get3A_109 = arith.index_cast %get3A_108 : i32 to index
      %get3A_110 = arith.index_cast %scan3A_39 : i32 to index
      %get3A_111 = arith.constant 16 : index
      %get3A_112 = tpu.vector_load %arg7[%get3A_109, %get3A_110, %get3A_111] {strides = array<i32>} : memref<8x128x64xf32, #tpu.memory_space<vmem>>, vector<1x1x16xf32>,
      %get3A_113 = vector.shape_cast %get3A_112 : vector<1x1x16xf32> to vector<16xf32>
      %add3A_114 = arith.addf %get3A_107, %get3A_113 : vector<16xf32>
      %get3A_115 = arith.constant 2 : i32
      %get3A_116 = arith.index_cast %get3A_115 : i32 to index
      %get3A_117 = arith.index_cast %scan3A_39 : i32 to index
      %get3A_118 = arith.constant 16 : index
      %get3A_119 = tpu.vector_load %arg7[%get3A_116, %get3A_117, %get3A_118] {strides = array<i32>} : memref<8x128x64xf32, #tpu.memory_space<vmem>>, vector<1x1x16xf32>,
      %get3A_120 = vector.shape_cast %get3A_119 : vector<1x1x16xf32> to vector<16xf32>
      %get3A_121 = arith.constant 3 : i32
      %get3A_122 = arith.index_cast %get3A_121 : i32 to index
      %get3A_123 = arith.index_cast %scan3A_39 : i32 to index
      %get3A_124 = arith.constant 16 : index
      %get3A_125 = tpu.vector_load %arg7[%get3A_122, %get3A_123, %get3A_124] {strides = array<i32>} : memref<8x128x64xf32, #tpu.memory_space<vmem>>, vector<1x1x16xf32>,
      %get3A_126 = vector.shape_cast %get3A_125 : vector<1x1x16xf32> to vector<16xf32>
      %add3A_127 = arith.addf %get3A_120, %get3A_126 : vector<16xf32>
      %get3A_128 = arith.constant 4 : i32
      %get3A_129 = arith.index_cast %get3A_128 : i32 to index
      %get3A_130 = arith.index_cast %scan3A_39 : i32 to index
      %get3A_131 = arith.constant 16 : index
      %get3A_132 = tpu.vector_load %arg7[%get3A_129, %get3A_130, %get3A_131] {strides = array<i32>} : memref<8x128x64xf32, #tpu.memory_space<vmem>>, vector<1x1x16xf32>,
      %get3A_133 = vector.shape_cast %get3A_132 : vector<1x1x16xf32> to vector<16xf32>
      %get3A_134 = arith.constant 5 : i32
      %get3A_135 = arith.index_cast %get3A_134 : i32 to index
      %get3A_136 = arith.index_cast %scan3A_39 : i32 to index
      %get3A_137 = arith.constant 16 : index
      %get3A_138 = tpu.vector_load %arg7[%get3A_135, %get3A_136, %get3A_137] {strides = array<i32>} : memref<8x128x64xf32, #tpu.memory_space<vmem>>, vector<1x1x16xf32>,
      %get3A_139 = vector.shape_cast %get3A_138 : vector<1x1x16xf32> to vector<16xf32>
      %add3A_140 = arith.addf %get3A_133, %get3A_139 : vector<16xf32>
      %get3A_141 = arith.constant 6 : i32
      %get3A_142 = arith.index_cast %get3A_141 : i32 to index
      %get3A_143 = arith.index_cast %scan3A_39 : i32 to index
      %get3A_144 = arith.constant 16 : index
      %get3A_145 = tpu.vector_load %arg7[%get3A_142, %get3A_143, %get3A_144] {strides = array<i32>} : memref<8x128x64xf32, #tpu.memory_space<vmem>>, vector<1x1x16xf32>,
      %get3A_146 = vector.shape_cast %get3A_145 : vector<1x1x16xf32> to vector<16xf32>
      %get3A_147 = arith.constant 7 : i32
      %get3A_148 = arith.index_cast %get3A_147 : i32 to index
      %get3A_149 = arith.index_cast %scan3A_39 : i32 to index
      %get3A_150 = arith.constant 16 : index
      %get3A_151 = tpu.vector_load %arg7[%get3A_148, %get3A_149, %get3A_150] {strides = array<i32>} : memref<8x128x64xf32, #tpu.memory_space<vmem>>, vector<1x1x16xf32>,
      %get3A_152 = vector.shape_cast %get3A_151 : vector<1x1x16xf32> to vector<16xf32>
      %add3A_153 = arith.addf %get3A_146, %get3A_152 : vector<16xf32>
      %add3A_154 = arith.addf %add3A_114, %add3A_127 : vector<16xf32>
      %add3A_155 = arith.addf %add3A_140, %add3A_153 : vector<16xf32>
      %add3A_156 = arith.addf %add3A_154, %add3A_155 : vector<16xf32>
      %mul3A_157 = vector.broadcast %scan3A_33 : f32 to vector<16xf32>
      %mul3A_158 = arith.mulf %add3A_156, %mul3A_157 : vector<16xf32>
      %add3A_159 = arith.addf %mul3A_158, %get3A_25 : vector<16xf32>
      %swap3A_160 = arith.index_cast %scan3A_39 : i32 to index
      %swap3A_161 = arith.constant 16 : index
      %swap3A_162 = tpu.vector_load %arg8[%swap3A_160, %swap3A_161] {strides = array<i32>} : memref<128x64xf32, #tpu.memory_space<vmem>>, vector<1x16xf32>,
      %swap3A_163 = vector.shape_cast %swap3A_162 : vector<1x16xf32> to vector<16xf32>
      %swap3A_164 = vector.shape_cast %add3A_159 : vector<16xf32> to vector<1x16xf32>
      tpu.vector_store %arg8[%swap3A_160, %swap3A_161], %swap3A_164 {strides = array<i32>} : memref<128x64xf32, #tpu.memory_space<vmem>>, vector<1x16xf32>,
      %get3A_165 = arith.constant 0 : i32
      %get3A_166 = arith.index_cast %get3A_165 : i32 to index
      %get3A_167 = arith.index_cast %scan3A_39 : i32 to index
      %get3A_168 = arith.constant 32 : index
      %get3A_169 = tpu.vector_load %arg7[%get3A_166, %get3A_167, %get3A_168] {strides = array<i32>} : memref<8x128x64xf32, #tpu.memory_space<vmem>>, vector<1x1x16xf32>,
      %get3A_170 = vector.shape_cast %get3A_169 : vector<1x1x16xf32> to vector<16xf32>
      %get3A_171 = arith.constant 1 : i32
      %get3A_172 = arith.index_cast %get3A_171 : i32 to index
      %get3A_173 = arith.index_cast %scan3A_39 : i32 to index
      %get3A_174 = arith.constant 32 : index
      %get3A_175 = tpu.vector_load %arg7[%get3A_172, %get3A_173, %get3A_174] {strides = array<i32>} : memref<8x128x64xf32, #tpu.memory_space<vmem>>, vector<1x1x16xf32>,
      %get3A_176 = vector.shape_cast %get3A_175 : vector<1x1x16xf32> to vector<16xf32>
      %add3A_177 = arith.addf %get3A_170, %get3A_176 : vector<16xf32>
      %get3A_178 = arith.constant 2 : i32
      %get3A_179 = arith.index_cast %get3A_178 : i32 to index
      %get3A_180 = arith.index_cast %scan3A_39 : i32 to index
      %get3A_181 = arith.constant 32 : index
      %get3A_182 = tpu.vector_load %arg7[%get3A_179, %get3A_180, %get3A_181] {strides = array<i32>} : memref<8x128x64xf32, #tpu.memory_space<vmem>>, vector<1x1x16xf32>,
      %get3A_183 = vector.shape_cast %get3A_182 : vector<1x1x16xf32> to vector<16xf32>
      %get3A_184 = arith.constant 3 : i32
      %get3A_185 = arith.index_cast %get3A_184 : i32 to index
      %get3A_186 = arith.index_cast %scan3A_39 : i32 to index
      %get3A_187 = arith.constant 32 : index
      %get3A_188 = tpu.vector_load %arg7[%get3A_185, %get3A_186, %get3A_187] {strides = array<i32>} : memref<8x128x64xf32, #tpu.memory_space<vmem>>, vector<1x1x16xf32>,
      %get3A_189 = vector.shape_cast %get3A_188 : vector<1x1x16xf32> to vector<16xf32>
      %add3A_190 = arith.addf %get3A_183, %get3A_189 : vector<16xf32>
      %get3A_191 = arith.constant 4 : i32
      %get3A_192 = arith.index_cast %get3A_191 : i32 to index
      %get3A_193 = arith.index_cast %scan3A_39 : i32 to index
      %get3A_194 = arith.constant 32 : index
      %get3A_195 = tpu.vector_load %arg7[%get3A_192, %get3A_193, %get3A_194] {strides = array<i32>} : memref<8x128x64xf32, #tpu.memory_space<vmem>>, vector<1x1x16xf32>,
      %get3A_196 = vector.shape_cast %get3A_195 : vector<1x1x16xf32> to vector<16xf32>
      %get3A_197 = arith.constant 5 : i32
      %get3A_198 = arith.index_cast %get3A_197 : i32 to index
      %get3A_199 = arith.index_cast %scan3A_39 : i32 to index
      %get3A_200 = arith.constant 32 : index
      %get3A_201 = tpu.vector_load %arg7[%get3A_198, %get3A_199, %get3A_200] {strides = array<i32>} : memref<8x128x64xf32, #tpu.memory_space<vmem>>, vector<1x1x16xf32>,
      %get3A_202 = vector.shape_cast %get3A_201 : vector<1x1x16xf32> to vector<16xf32>
      %add3A_203 = arith.addf %get3A_196, %get3A_202 : vector<16xf32>
      %get3A_204 = arith.constant 6 : i32
      %get3A_205 = arith.index_cast %get3A_204 : i32 to index
      %get3A_206 = arith.index_cast %scan3A_39 : i32 to index
      %get3A_207 = arith.constant 32 : index
      %get3A_208 = tpu.vector_load %arg7[%get3A_205, %get3A_206, %get3A_207] {strides = array<i32>} : memref<8x128x64xf32, #tpu.memory_space<vmem>>, vector<1x1x16xf32>,
      %get3A_209 = vector.shape_cast %get3A_208 : vector<1x1x16xf32> to vector<16xf32>
      %get3A_210 = arith.constant 7 : i32
      %get3A_211 = arith.index_cast %get3A_210 : i32 to index
      %get3A_212 = arith.index_cast %scan3A_39 : i32 to index
      %get3A_213 = arith.constant 32 : index
      %get3A_214 = tpu.vector_load %arg7[%get3A_211, %get3A_212, %get3A_213] {strides = array<i32>} : memref<8x128x64xf32, #tpu.memory_space<vmem>>, vector<1x1x16xf32>,
      %get3A_215 = vector.shape_cast %get3A_214 : vector<1x1x16xf32> to vector<16xf32>
      %add3A_216 = arith.addf %get3A_209, %get3A_215 : vector<16xf32>
      %add3A_217 = arith.addf %add3A_177, %add3A_190 : vector<16xf32>
      %add3A_218 = arith.addf %add3A_203, %add3A_216 : vector<16xf32>
      %add3A_219 = arith.addf %add3A_217, %add3A_218 : vector<16xf32>
      %mul3A_220 = vector.broadcast %scan3A_33 : f32 to vector<16xf32>
      %mul3A_221 = arith.mulf %add3A_219, %mul3A_220 : vector<16xf32>
      %add3A_222 = arith.addf %mul3A_221, %get3A_28 : vector<16xf32>
      %swap3A_223 = arith.index_cast %scan3A_39 : i32 to index
      %swap3A_224 = arith.constant 32 : index
      %swap3A_225 = tpu.vector_load %arg8[%swap3A_223, %swap3A_224] {strides = array<i32>} : memref<128x64xf32, #tpu.memory_space<vmem>>, vector<1x16xf32>,
      %swap3A_226 = vector.shape_cast %swap3A_225 : vector<1x16xf32> to vector<16xf32>
      %swap3A_227 = vector.shape_cast %add3A_222 : vector<16xf32> to vector<1x16xf32>
      tpu.vector_store %arg8[%swap3A_223, %swap3A_224], %swap3A_227 {strides = array<i32>} : memref<128x64xf32, #tpu.memory_space<vmem>>, vector<1x16xf32>,
      %get3A_228 = arith.constant 0 : i32
      %get3A_229 = arith.index_cast %get3A_228 : i32 to index
      %get3A_230 = arith.index_cast %scan3A_39 : i32 to index
      %get3A_231 = arith.constant 48 : index
      %get3A_232 = tpu.vector_load %arg7[%get3A_229, %get3A_230, %get3A_231] {strides = array<i32>} : memref<8x128x64xf32, #tpu.memory_space<vmem>>, vector<1x1x16xf32>,
      %get3A_233 = vector.shape_cast %get3A_232 : vector<1x1x16xf32> to vector<16xf32>
      %get3A_234 = arith.constant 1 : i32
      %get3A_235 = arith.index_cast %get3A_234 : i32 to index
      %get3A_236 = arith.index_cast %scan3A_39 : i32 to index
      %get3A_237 = arith.constant 48 : index
      %get3A_238 = tpu.vector_load %arg7[%get3A_235, %get3A_236, %get3A_237] {strides = array<i32>} : memref<8x128x64xf32, #tpu.memory_space<vmem>>, vector<1x1x16xf32>,
      %get3A_239 = vector.shape_cast %get3A_238 : vector<1x1x16xf32> to vector<16xf32>
      %add3A_240 = arith.addf %get3A_233, %get3A_239 : vector<16xf32>
      %get3A_241 = arith.constant 2 : i32
      %get3A_242 = arith.index_cast %get3A_241 : i32 to index
      %get3A_243 = arith.index_cast %scan3A_39 : i32 to index
      %get3A_244 = arith.constant 48 : index
      %get3A_245 = tpu.vector_load %arg7[%get3A_242, %get3A_243, %get3A_244] {strides = array<i32>} : memref<8x128x64xf32, #tpu.memory_space<vmem>>, vector<1x1x16xf32>,
      %get3A_246 = vector.shape_cast %get3A_245 : vector<1x1x16xf32> to vector<16xf32>
      %get3A_247 = arith.constant 3 : i32
      %get3A_248 = arith.index_cast %get3A_247 : i32 to index
      %get3A_249 = arith.index_cast %scan3A_39 : i32 to index
      %get3A_250 = arith.constant 48 : index
      %get3A_251 = tpu.vector_load %arg7[%get3A_248, %get3A_249, %get3A_250] {strides = array<i32>} : memref<8x128x64xf32, #tpu.memory_space<vmem>>, vector<1x1x16xf32>,
      %get3A_252 = vector.shape_cast %get3A_251 : vector<1x1x16xf32> to vector<16xf32>
      %add3A_253 = arith.addf %get3A_246, %get3A_252 : vector<16xf32>
      %get3A_254 = arith.constant 4 : i32
      %get3A_255 = arith.index_cast %get3A_254 : i32 to index
      %get3A_256 = arith.index_cast %scan3A_39 : i32 to index
      %get3A_257 = arith.constant 48 : index
      %get3A_258 = tpu.vector_load %arg7[%get3A_255, %get3A_256, %get3A_257] {strides = array<i32>} : memref<8x128x64xf32, #tpu.memory_space<vmem>>, vector<1x1x16xf32>,
      %get3A_259 = vector.shape_cast %get3A_258 : vector<1x1x16xf32> to vector<16xf32>
      %get3A_260 = arith.constant 5 : i32
      %get3A_261 = arith.index_cast %get3A_260 : i32 to index
      %get3A_262 = arith.index_cast %scan3A_39 : i32 to index
      %get3A_263 = arith.constant 48 : index
      %get3A_264 = tpu.vector_load %arg7[%get3A_261, %get3A_262, %get3A_263] {strides = array<i32>} : memref<8x128x64xf32, #tpu.memory_space<vmem>>, vector<1x1x16xf32>,
      %get3A_265 = vector.shape_cast %get3A_264 : vector<1x1x16xf32> to vector<16xf32>
      %add3A_266 = arith.addf %get3A_259, %get3A_265 : vector<16xf32>
      %get3A_267 = arith.constant 6 : i32
      %get3A_268 = arith.index_cast %get3A_267 : i32 to index
      %get3A_269 = arith.index_cast %scan3A_39 : i32 to index
      %get3A_270 = arith.constant 48 : index
      %get3A_271 = tpu.vector_load %arg7[%get3A_268, %get3A_269, %get3A_270] {strides = array<i32>} : memref<8x128x64xf32, #tpu.memory_space<vmem>>, vector<1x1x16xf32>,
      %get3A_272 = vector.shape_cast %get3A_271 : vector<1x1x16xf32> to vector<16xf32>
      %get3A_273 = arith.constant 7 : i32
      %get3A_274 = arith.index_cast %get3A_273 : i32 to index
      %get3A_275 = arith.index_cast %scan3A_39 : i32 to index
      %get3A_276 = arith.constant 48 : index
      %get3A_277 = tpu.vector_load %arg7[%get3A_274, %get3A_275, %get3A_276] {strides = array<i32>} : memref<8x128x64xf32, #tpu.memory_space<vmem>>, vector<1x1x16xf32>,
      %get3A_278 = vector.shape_cast %get3A_277 : vector<1x1x16xf32> to vector<16xf32>
      %add3A_279 = arith.addf %get3A_272, %get3A_278 : vector<16xf32>
      %add3A_280 = arith.addf %add3A_240, %add3A_253 : vector<16xf32>
      %add3A_281 = arith.addf %add3A_266, %add3A_279 : vector<16xf32>
      %add3A_282 = arith.addf %add3A_280, %add3A_281 : vector<16xf32>
      %mul3A_283 = vector.broadcast %scan3A_33 : f32 to vector<16xf32>
      %mul3A_284 = arith.mulf %add3A_282, %mul3A_283 : vector<16xf32>
      %add3A_285 = arith.addf %mul3A_284, %get3A_31 : vector<16xf32>
      %swap3A_286 = arith.index_cast %scan3A_39 : i32 to index
      %swap3A_287 = arith.constant 48 : index
      %swap3A_288 = tpu.vector_load %arg8[%swap3A_286, %swap3A_287] {strides = array<i32>} : memref<128x64xf32, #tpu.memory_space<vmem>>, vector<1x16xf32>,
      %swap3A_289 = vector.shape_cast %swap3A_288 : vector<1x16xf32> to vector<16xf32>
      %swap3A_290 = vector.shape_cast %add3A_285 : vector<16xf32> to vector<1x16xf32>
      tpu.vector_store %arg8[%swap3A_286, %swap3A_287], %swap3A_290 {strides = array<i32>} : memref<128x64xf32, #tpu.memory_space<vmem>>, vector<1x16xf32>,
    }
    %scan3A_38 = arith.constant 128 : i32
    "tpu.region"() ({
      %run_scoped3A = tpu.sem_alloc : memref<!tpu.dma_semaphore, #tpu.memory_space<semaphore_mem>>
      %dma_start3A = arith.constant 0 : i32
      %dma_start3A_39 = tpu.memref_slice %arg5[%mul3A_2, %dma_start3A] : memref<4096x64xf32, #tpu.memory_space<hbm>> -> memref<128x64xf32, #tpu.memory_space<hbm>>
      %dma_start3A_40 = arith.constant 0 : i32
      %dma_start3A_41 = tpu.memref_slice %arg5[%mul3A_2, %dma_start3A_40] : memref<4096x64xf32, #tpu.memory_space<hbm>> -> memref<128x64xf32, #tpu.memory_space<hbm>>
      tpu.enqueue_dma source(%arg8 : memref<128x64xf32, #tpu.memory_space<vmem>>) target(%dma_start3A_41 : memref<128x64xf32, #tpu.memory_space<hbm>>) target_semaphore(%run_scoped3A : memref<!tpu.dma_semaphore, #tpu.memory_space<semaphore_mem>>)
      %dma_wait3A = arith.constant 0 : i32
      %dma_wait3A_42 = tpu.memref_slice %arg5[%mul3A_2, %dma_wait3A] : memref<4096x64xf32, #tpu.memory_space<hbm>> -> memref<128x64xf32, #tpu.memory_space<hbm>>
      %dma_wait3A_43 = arith.constant 0 : i32
      %dma_wait3A_44 = tpu.memref_slice %arg5[%mul3A_2, %dma_wait3A_43] : memref<4096x64xf32, #tpu.memory_space<hbm>> -> memref<128x64xf32, #tpu.memory_space<hbm>>
      tpu.wait_dma2 semaphore(%run_scoped3A : memref<!tpu.dma_semaphore, #tpu.memory_space<semaphore_mem>>) src(%arg8 : memref<128x64xf32, #tpu.memory_space<vmem>>) dst(%dma_wait3A_44 : memref<128x64xf32, #tpu.memory_space<hbm>>)
      tpu.yield
    }) : () -> ()
    return
  }
}

module attributes {stable_mosaic.version = 14 : i64} {
  func.func @_proj_body(%arg0: i32, %arg1: memref<64x15360xf32, #tpu.memory_space<vmem>>, %arg2: memref<64x15360xf32, #tpu.memory_space<vmem>>, %arg3: memref<128x128xf32, #tpu.memory_space<vmem>>, %arg4: memref<15360x128xf32, #tpu.memory_space<vmem>>) attributes {dimension_semantics = [#tpu.dimension_semantics<arbitrary>], iteration_bounds = array<i64: 33>, scalar_prefetch = 0 : i64, scratch_operands = 0 : i64, tpu.core_type = #tpu.core_type<tc>, window_params = [{transform_indices = @transform_0, window_bounds = array<i64: 64, 15360>}, {transform_indices = @transform_1, window_bounds = array<i64: 64, 15360>}, {pipeline_mode = #tpu.pipeline_mode<synchronous>, transform_indices = @transform_2, window_bounds = array<i64: 128, 128>}, {transform_indices = @transform_3, window_bounds = array<i64: 15360, 128>}]} {
    %get3A = arith.constant 0 : index
    %get3A_0 = arith.constant 0 : index
    %get3A_1 = vector.load %arg1[%get3A, %get3A_0] : memref<64x15360xf32, #tpu.memory_space<vmem>>, vector<64x15360xf32>
    %get3A_2 = arith.constant 0 : index
    %get3A_3 = arith.constant 0 : index
    %get3A_4 = vector.load %arg2[%get3A_2, %get3A_3] : memref<64x15360xf32, #tpu.memory_space<vmem>>, vector<64x15360xf32>
    %concatenate3A = tpu.concatenate %get3A_1, %get3A_4 in 0 : vector<64x15360xf32>, vector<64x15360xf32> -> vector<128x15360xf32>
    %get3A_5 = arith.constant 0 : index
    %get3A_6 = arith.constant 0 : index
    %get3A_7 = vector.load %arg3[%get3A_5, %get3A_6] : memref<128x128xf32, #tpu.memory_space<vmem>>, vector<128x128xf32>
    %dot_general3A = arith.constant dense<0.000000e+00> : vector<15360x128xf32>
    %dot_general3A_8 = tpu.matmul %concatenate3A, %get3A_7, %dot_general3A {dimension_numbers = #tpu.dot_dimension_numbers<[0], [0], [1], [1], [0, 1, 1, 1], [], []>, transpose_lhs_hint = false} : vector<128x15360xf32>, vector<128x128xf32>, vector<15360x128xf32> -> vector<15360x128xf32>
    %swap3A = arith.constant 0 : index
    %swap3A_9 = arith.constant 0 : index
    %swap3A_10 = vector.load %arg4[%swap3A, %swap3A_9] : memref<15360x128xf32, #tpu.memory_space<vmem>>, vector<15360x128xf32>
    tpu.vector_store %arg4[%swap3A, %swap3A_9], %dot_general3A_8 {strides = array<i32>} : memref<15360x128xf32, #tpu.memory_space<vmem>>, vector<15360x128xf32>,
    return
  }
  func.func @transform_0(%arg0: i32) -> (i32, i32) {
    %mul3A = arith.constant 2 : i32
    %mul3A_0 = arith.muli %mul3A, %arg0 : i32
    %c0_i32 = arith.constant 0 : i32
    %c0_i32_1 = arith.constant 0 : i32
    return %c0_i32, %mul3A_0 : i32, i32
  }
  func.func @transform_1(%arg0: i32) -> (i32, i32) {
    %mul3A = arith.constant 2 : i32
    %mul3A_0 = arith.muli %mul3A, %arg0 : i32
    %add3A = arith.constant 1 : i32
    %add3A_1 = arith.addi %mul3A_0, %add3A : i32
    %min3A = arith.constant 65 : i32
    %min3A_2 = arith.minsi %add3A_1, %min3A : i32
    %c0_i32 = arith.constant 0 : i32
    %c0_i32_3 = arith.constant 0 : i32
    return %c0_i32, %min3A_2 : i32, i32
  }
  func.func @transform_2(%arg0: i32) -> (i32, i32) {
    %c0_i32 = arith.constant 0 : i32
    %c0_i32_0 = arith.constant 0 : i32
    %c0_i32_1 = arith.constant 0 : i32
    return %c0_i32, %c0_i32_0 : i32, i32
  }
  func.func @transform_3(%arg0: i32) -> (i32, i32) {
    %c0_i32 = arith.constant 0 : i32
    %c0_i32_0 = arith.constant 0 : i32
    return %arg0, %c0_i32 : i32, i32
  }
}

</mosaic_0001>

<sc_bundles>
// kernel: kernel.4.cloned.1.call-start
scs
__scs_entry_jumppad:
0x0: {  	(pc) =	sbr.rel $0x88, $3  }
0x1: {  	(tag) =	ssettag $0x0;
	lr =	simm.s32 $0x1  }
0x2: {  	[smem:$0x3F9D] =	sst lr;
	_ =	strace $0xD0000000  }
0x3: {  	_ = 	snop  }
0x4: {  	_ = 	snop  }
0x5: {  	_ = 	snop  }
0x6: {  	_ = 	snop  }
0x7: {  	_ = 	snop  }
__scs_overlays_trampoline_lowered:
0x8: {  	[smem:$0x3FAC] =	sst s0  }
0x9: {  	[smem:$0x3FAD] =	sst s1  }
0xa: {  	[smem:$0x3FAE] =	sst s2  }
0xb: {  	[smem:$0x3FAF] =	sst s3  }
0xc: {  	[smem:$0x3FB0] =	sst s4  }
0xd: {  	[smem:$0x3FB1] =	sst s5  }
0xe: {  	[smem:$0x3FB2] =	sst s6  }
0xf: {  	[smem:$0x3FB3] =	sst s7  }
0x10: {  	[smem:$0x3FB4] =	sst s8  }
0x11: {  	[smem:$0x3FB5] =	sst s9;
	s0 =	simm.s32 @!p0 $0x0  }
0x12: {  	s1 =	sld [smem:$0x3F9B];
	s0 =	simm.s32 @p0 $0x1  }
0x13: {  	[smem:$0x3FB6] =	sst s0;
	s0 =	simm.s32 @!p1 $0x0  }
0x14: {  	s2 =	sld [smem:$0x3F9A];
	s0 =	simm.s32 @p1 $0x1  }
0x15: {  	[smem:$0x3FB7] =	sst s0;
	s0 =	simm.s32 @!p2 $0x0  }
0x16: {  	s3 =	sld [smem:$0x3FDB];
	s0 =	simm.s32 @p2 $0x1  }
0x17: {  	s4 =	simm.s32 $0x1BF5;
	[smem:$0x3FB9] =	sst s0  }
0x18: {  	s0 =	sld [smem:$0x3F9C];
	_ =	swait.ge [sflag:s4], $0x0  }
0x19: {  	s7 =	sld [smem:$0x3F9D]  }
0x1a: {  	s8 =	sadd.s32 $0xFFFFE003, lr  }
0x1b: {  	s9 =	sadd.s32 $0xFFFFFEF7, lr;
	s5 =	simm.s32 $0xFFFFFFFF;
	p2 =	slt.u32 s8, $0xFFFFF086  }
0x1c: {  	p1 =	slt.u32 s9, $0xF7A;
	s5 =	simm.s32 @!p2 $0x0  }
0x1d: {  	s5 =	simm.s32 @p1 $0x1;
	p0 =	seq.s32 s7, s2  }
0x1e: {  	s7 =	smul.u32 @!p0 $0xF7A, s2;
	p2 =	seq.s32 @!p0 s5, $0x0  }
0x1f: {  	s9 =	smul.u32 $0xF7A, s1;
	s8 =	simm.s32 @!p0 $0x1BF5;
	p2 =	por !p2, p0  }
0x20: {  	[sflag:s8] =	ssyncset.s32 @!p0 $0xFFFFF086;
	s6 =	sadd.s32 @!p0 s3, s7;
	s7 =	simm.s32 @!p0 $0x108  }
0x21: {  	s3 =	sadd.s32 s3, s9;
	s6 =	sadd.s32 @!p0 $0x88, s6;
	s7 =	simm.s32 @p2 $0x1082  }
0x22: {  	[simem:s7], [sflag:s8] =	dma.local @!p0 [hbm:s6], $0xF7A  }
0x23: {  	s9 =	sor.u32 $0xD0000000, s2;
	s6 =	simm.s32 $0x108;
	_ =	swait.ge @!p0 [sflag:s8], $0x0  }
0x24: {  	s3 =	sadd.s32 $0x88, s3;
	s6 =	simm.s32 @!p1 $0x1082;
	[sflag:s4] =	ssyncset.s32 $0xFFFFF086  }
0x25: {  	[simem:s6], [sflag:s4] =	dma.local [hbm:s3], $0xF7A  }
0x26: {  	[smem:$0x3F9D] =	sst s1;
	(tag) =	ssettag s2;
	_ =	strace s9  }
0x27: {  	s1 =	sld [smem:$0x3FAD]  }
0x28: {  	s2 =	sld [smem:$0x3FAE]  }
0x29: {  	s4 =	sld [smem:$0x3FB0]  }
0x2a: {  	p0 =	seq.s32 s5, $0x0;
	s5 =	sld [smem:$0x3FB1]  }
0x2b: {  	s6 =	sld [smem:$0x3FB2]  }
0x2c: {  	s7 =	sld [smem:$0x3FB3]  }
0x2d: {  	s3 =	simm.s32 $0x108;
	s8 =	sld [smem:$0x3FB4]  }
0x2e: {  	s3 =	simm.s32 @!p0 $0x1082;
	s9 =	sld [smem:$0x3FB5]  }
0x2f: {  	lr =	sadd.s32 s0, s3;
	s0 =	sld [smem:$0x3FAC]  }
0x30: {  	s3 =	sld [smem:$0x3FAF]  }
0x31: {  	[smem:$0x3FB8] =	sst s10  }
0x32: {  	s10 =	sld [smem:$0x3FB6];
	_ =	sdelay $0x3  }
0x33: {  	p0 =	seq.s32 s10, $0x1;
	s10 =	sld [smem:$0x3FB8];
	_ =	sdelay $0x3  }
0x34: {  	[smem:$0x3FB8] =	sst s10  }
0x35: {  	s10 =	sld [smem:$0x3FB7];
	_ =	sdelay $0x3  }
0x36: {  	p1 =	seq.s32 s10, $0x1;
	s10 =	sld [smem:$0x3FB8];
	_ =	sdelay $0x3  }
0x37: {  	[smem:$0x3FB8] =	sst s10  }
0x38: {  	s10 =	sld [smem:$0x3FB9]  }
0x39: {  	_ = 	snop;
	(pc) =	sbr.ind lr, $3  }
0x3a: {  	_ = 	snop  }
0x3b: {  	_ = 	snop  }
0x3c: {  	p2 =	seq.s32 s10, $0x1;
	s10 =	sld [smem:$0x3FB8]  }
0x3d: {  	_ =	shalt  }
0x3e: {  	_ =	shalt  }
0x3f: {  	_ =	shalt  }
0x40: {  	_ =	shalt  }
0x41: {  	_ =	shalt  }
0x42: {  	_ =	shalt  }
0x43: {  	_ =	shalt  }
0x44: {  	_ =	shalt  }
0x45: {  	_ =	shalt  }
0x46: {  	_ =	shalt  }
0x47: {  	_ =	shalt  }
0x48: {  	_ =	shalt  }
0x49: {  	_ =	shalt  }
0x4a: {  	_ =	shalt  }
0x4b: {  	_ =	shalt  }
0x4c: {  	_ =	shalt  }
0x4d: {  	_ =	shalt  }
0x4e: {  	_ =	shalt  }
0x4f: {  	_ =	shalt  }
0x50: {  	_ =	shalt  }
0x51: {  	_ =	shalt  }
0x52: {  	_ =	shalt  }
0x53: {  	_ =	shalt  }
0x54: {  	_ =	shalt  }
0x55: {  	_ =	shalt  }
0x56: {  	_ =	shalt  }
0x57: {  	_ =	shalt  }
0x58: {  	_ =	shalt  }
0x59: {  	_ =	shalt  }
0x5a: {  	_ =	shalt  }
0x5b: {  	_ =	shalt  }
0x5c: {  	_ =	shalt  }
0x5d: {  	_ =	shalt  }
0x5e: {  	_ =	shalt  }
0x5f: {  	_ =	shalt  }
0x60: {  	_ =	shalt  }
0x61: {  	_ =	shalt  }
0x62: {  	_ =	shalt  }
0x63: {  	_ =	shalt  }
0x64: {  	_ =	shalt  }
0x65: {  	_ =	shalt  }
0x66: {  	_ =	shalt  }
0x67: {  	_ =	shalt  }
0x68: {  	_ =	shalt  }
0x69: {  	_ =	shalt  }
0x6a: {  	_ =	shalt  }
0x6b: {  	_ =	shalt  }
0x6c: {  	_ =	shalt  }
0x6d: {  	_ =	shalt  }
0x6e: {  	_ =	shalt  }
0x6f: {  	_ =	shalt  }
0x70: {  	_ =	shalt  }
0x71: {  	_ =	shalt  }
0x72: {  	_ =	shalt  }
0x73: {  	_ =	shalt  }
0x74: {  	_ =	shalt  }
0x75: {  	_ =	shalt  }
0x76: {  	_ =	shalt  }
0x77: {  	_ =	shalt  }
0x78: {  	_ =	shalt  }
0x79: {  	_ =	shalt  }
0x7a: {  	_ =	shalt  }
0x7b: {  	_ =	shalt  }
0x7c: {  	_ =	shalt  }
0x7d: {  	_ =	shalt  }
0x7e: {  	_ =	shalt  }
0x7f: {  	_ =	shalt  }
0x80: {  	_ =	shalt  }
0x81: {  	_ =	shalt  }
0x82: {  	_ =	shalt  }
0x83: {  	_ =	shalt  }
0x84: {  	_ =	shalt  }
0x85: {  	_ =	shalt  }
0x86: {  	_ =	shalt  }
0x87: {  	_ =	shalt  }
.Lfunc_end0:
.L_simem_size_0:
called_computation_lowered:
.L_overlay_start_0:
0x88: {  	s2 =	sld [smem:$0x3FD9]  }
0x89: {  	s3 =	sld [smem:$0x3FFE];
	_ =	sdelay $0x1  }
0x8a: {  	s1 =	srdreg.scid  }
0x8b: {  	s0 =	sand.u32 $0x1, s1  }
0x8c: {  	s17 =	sshll.u32 s0, $0xA;
	s2 =	sadd.s32 s3, s2  }
0x8d: {  	s2 =	sadd.s32 s2, s17  }
0x8e: {  	[smem:$0x3FC4] =	sst s2  }
0x8f: {  	_ = 	snop  }
0x90: {  	s2 =	sld [smem:$0x3FC6]  }
0x91: {  	s18 =	sld [smem:$0x3FD0];
	(tm) =	ssettm $0x1  }
0x92: {  	s4 =	sld [smem:$0x3FFB];
	_ =	sdelay $0x3  }
0x93: {  	_ =	strace s4  }
0x94: {  	s4 =	sld [smem:$0x3FFC];
	_ =	sdelay $0x3  }
0x95: {  	_ =	strace s4  }
0x96: {  	s4 =	sld [smem:$0x3FFD];
	_ =	sdelay $0x3  }
0x97: {  	_ =	strace s4  }
0x98: {  	_ =	strace $0x8FFFFFFF  }
0x99: {  	s19 =	sld [smem:$0x3FDB];
	_ =	sdelay $0x1  }
0x9a: {  	s5 =	simm.s32 $_scs_section_size  }
0x9b: {  	s6 =	simm.s32 $_size__tile_overlayer_lowered;
	s7 =	simm.s32 $_tile_overlayer_lowered  }
0x9c: {  	s22 =	simm.s32 $0x1BFF;
	s21 =	sshll.u32 s7, $0x1;
	s4 =	sadd.s32 s5, s19  }
0x9d: {  	s8 =	simm.s32 $0x0;
	s20 =	sshll.u32 s6, $0x1;
	s6 =	sadd.s32 s21, s4  }
0x9e: {  	[timem:s8], [sflag:s22] =	dma.local [hbm:s6], s20  }
0x9f: {  	_ =	swait.ge [sflag:s22], s20  }
0xa0: {  	s5 =	ssub.s32 $0x0, s20;
	[sflag:s22] =	ssyncset.done $0x0  }
0xa1: {  	[sflag:s22] =	ssyncadd.s32 s5;
	_ =	sdelay $0x1  }
0xa2: {  	s23 =	simm.s32 $0x1B8B  }
0xa3: {  	_ =	swait.ge [sflag:s23], $0x1  }
0xa4: {  	[sflag:s23] =	ssyncset.done $0x0  }
0xa5: {  	s25 =	simm.s32 $0x1B8E;
	s24 =	sld [smem:$0x3FFE];
	[sflag:s23] =	ssyncadd.s32 $0xFFFFFFFF  }
0xa6: {  	s26 =	simm.s32 $execute0_lowered;
	[smem:$0x3FD2] =	sst s25  }
0xa7: {  	s6 =	sshll.u32 s26, $0x1;
	_ =	strace $0x80000046;
	[dreg:$0x1] =	wrdreg $0xFFFFFFFF  }
0xa8: {  	s28 =	simm.s32 $_size_execute0_lowered;
	s4 =	sadd.s32 s4, s6;
	[dreg:$0x0] =	wrdreg $0x0  }
0xa9: {  	s6 =	sshll.u32 s28, $0x1;
	[dreg:$0x2] =	wrdreg s4  }
0xaa: {  	[dreg:$0x3] =	wrdreg s6  }
0xab: {  	[dreg:$0x4] =	wrdreg $0xC0  }
0xac: {  	_ =	task [dreg:s8], $0x5FFFF  }
0xad: {  	[dreg:$0x1] =	wrdreg $0xFFFFFFFF  }
0xae: {  	[dreg:$0x0] =	wrdreg $0x60  }
0xaf: {  	[dreg:$0x2] =	wrdreg s24  }
0xb0: {  	[dreg:$0x3] =	wrdreg s2  }
0xb1: {  	[dreg:$0x4] =	wrdreg s18  }
0xb2: {  	[dreg:$0x5] =	wrdreg $0x9  }
0xb3: {  	_ =	task.clear_ibuf [dreg:s8], $0x6FFFF;
	_ =	strace $0x90000046  }
0xb4: {  	s29 =	simm.s32 $0x9;
	_ =	strace $0x80000048  }
0xb5: {  	_ =	swait.ge [sflag:s29], $0x1  }
0xb6: {  	[sflag:s29] =	ssyncadd.s32 $0xFFFFFFFF  }
0xb7: {  	_ =	strace $0x90000048  }
0xb8: {  	_ =	sfence  }
0xb9: {  	s30 =	sld [smem:$0x0];
	_ =	sdelay $0x2  }
0xba: {  	s31 =	sshll.u32 s1, $0xD;
	s1 =	sshrl.u32 s1, $0x2  }
0xbb: {  	s3 =	sand.u32 $0x4000, s31;
	s1 =	sadd.s32 s1, s30  }
0xbc: {  	s0 =	sor.u32 s3, s0;
	s1 =	sshll.u32 s1, $0x11  }
0xbd: {  	s0 =	sor.u32 s1, s0  }
0xbe: {  	s0 =	sadd.s32 $0x8F2B, s0  }
0xbf: {  	[sflag:s0] =	ssyncadd.remote.s32 $0x1  }
0xc0: {  	_ =	sfence.sel $0xFFFF  }
0xc1: {  	[dreg:$0x0] =	wrdreg $0xFFFFFFFF;
	(pc) =	sbr.abs _section_cstart, $3  }
0xc2: {  	[dreg:$0x1] =	wrdreg $0xFFFFFFFF  }
0xc3: {  	_ =	task.clear_ibuf [dreg:s8], $0x2FFFF;
	_ =	strace $0x9FFFFFFF  }
0xc4: {  	(tm) =	ssettm $0x7FFFFFFF  }
0xc5: {  	_ =	shalt  }
tec
execute0_lowered:
.L_overlay_start_1:
0x0: {  	(tag) =	ssettag $0x1  }
0x1: {  	s0 =	rddreg [dreg:$0x0]  }
0x2: {  	s2 =	rddreg [dreg:$0x1]  }
0x3: {  	s1 =	rddreg [dreg:$0x2]  }
0x4: {  	s3 =	srdreg.scid;
	s5 =	stileid.u32  }
0x5: {  	s8 =	simm.s32 $0x18400;
	s9 =	simm.s32 $0x9;
	s10 =	simm.s32 $0x80  }
0x6: {  	s11 =	simm.s32 $0x1000;
	s12 =	simm.s32 $0x6400;
	s13 =	simm.s32 $0x8400  }
0x7: {  	s14 =	simm.s32 $0xA400;
	s15 =	simm.s32 $0xC400;
	s16 =	simm.s32 $0xE400  }
0x8: {  	s17 =	simm.s32 $0x10400;
	s18 =	simm.s32 $0x12400;
	s19 =	simm.s32 $0x14400  }
0x9: {  	s20 =	simm.s32 $0x1;
	s21 =	simm.s32 $0x2;
	s22 =	simm.s32 $0x3  }
0xa: {  	s23 =	simm.s32 $0x4;
	s24 =	simm.s32 $0x5;
	s25 =	simm.s32 $0x6  }
0xb: {  	s26 =	simm.s32 $0x7;
	s28 =	simm.s32 $0x8;
	s29 =	simm.s32 $0x16400  }
0xc: {  	s30 =	simm.s32 $0x0;
	s4 =	sand.u32 $0x1, s3;
	s3 =	simm.s32 $0x0  }
0xd: {  	s5 =	sshll.u32 s5, $0x8;
	s6 =	sshll.u32 s4, $0x7;
	[smem:$0x7FF] =	sst s3  }
0xe: {  	s7 =	ssub.s32 $0x2, s4;
	s4 =	sadd.s32 $0x19400, s0;
	s6 =	sor.u32 s6, s5  }
0xf: {  	_ =	strace $0x80000047;
	s31 =	sshrl.u32 s7, $0x1;
	s5 =	sshrl.u32 s6, $0x3  }
0x10: {  	s6 =	sshll.u32 s6, $0x3;
	s5 =	sadd.s32 s5, s0;
	s0 =	ssub.s32 s7, s31  }
0x11: {  	v0 =	vimm.f32 $0.0e+00;
	s6 =	sadd.s32 s1, s6;
	s5 =	sadd.s32 $0x400, s5;
	s7 =	smax.u32 s0, $0x1  }
.LBB2_1:
0x12: {  	[tilespmem:s8], [sflag:$0x9] =	stream.linear.gather [hbm4b:s2+s3], $0x40, $0x38;
	[tilespmem:$0x18440] =	vst v63  }
0x13: {  	_ =	swait.ge [sflag:s9], $0x40  }
0x14: {  	[sflag:s9] =	ssyncset.done $0x0  }
0x15: {  	[sflag:s9] =	ssyncadd.s32 $0xFFFFFFC0  }
0x16: {  	[tilespmem:s3], [sflag:$0x9] =	stream.strided.gather [hbm4b:s5+s10], $0x6400, s11, s10, $0x38;
	[tilespmem:$0x18440] =	vst v63  }
0x17: {  	_ =	swait.ge [sflag:s9], $0x6400  }
0x18: {  	[sflag:s9] =	ssyncset.done $0x0  }
0x19: {  	s0 =	simm.s32 $0x0;
	s1 =	simm.s32 $0x100;
	[sflag:s9] =	ssyncadd.s32 $0xFFFF9C00  }
.LBB2_2:
0x1a: {  	p0 =	sne.s32 s1, $0x7F00;
	[tilespmem:s0+$0x14430] =	vst v0  }
0x1b: {  	[tilespmem:s0+$0x6400] =	vst v0  }
0x1c: {  	[tilespmem:s0+$0x6410] =	vst v0  }
0x1d: {  	[tilespmem:s0+$0x6420] =	vst v0  }
0x1e: {  	[tilespmem:s0+$0x6430] =	vst v0  }
0x1f: {  	[tilespmem:s0+$0x8400] =	vst v0  }
0x20: {  	[tilespmem:s0+$0x8410] =	vst v0  }
0x21: {  	[tilespmem:s0+$0x8420] =	vst v0  }
0x22: {  	[tilespmem:s0+$0x8430] =	vst v0  }
0x23: {  	[tilespmem:s0+$0xA400] =	vst v0  }
0x24: {  	[tilespmem:s0+$0xA410] =	vst v0  }
0x25: {  	[tilespmem:s0+$0xA420] =	vst v0  }
0x26: {  	[tilespmem:s0+$0xA430] =	vst v0  }
0x27: {  	[tilespmem:s0+$0xC400] =	vst v0  }
0x28: {  	[tilespmem:s0+$0xC410] =	vst v0  }
0x29: {  	[tilespmem:s0+$0xC420] =	vst v0  }
0x2a: {  	[tilespmem:s0+$0xC430] =	vst v0  }
0x2b: {  	[tilespmem:s0+$0xE400] =	vst v0  }
0x2c: {  	[tilespmem:s0+$0xE410] =	vst v0  }
0x2d: {  	[tilespmem:s0+$0xE420] =	vst v0  }
0x2e: {  	[tilespmem:s0+$0xE430] =	vst v0  }
0x2f: {  	[tilespmem:s0+$0x10400] =	vst v0  }
0x30: {  	[tilespmem:s0+$0x10410] =	vst v0  }
0x31: {  	[tilespmem:s0+$0x10420] =	vst v0  }
0x32: {  	[tilespmem:s0+$0x10430] =	vst v0  }
0x33: {  	[tilespmem:s0+$0x12400] =	vst v0  }
0x34: {  	[tilespmem:s0+$0x12410] =	vst v0  }
.Ltmp0:
0x35: {  	[tilespmem:s0+$0x12420] =	vst v0;
	(pc) =	sbr.rel @p0 .LBB2_2-.Ltmp0, $4  }
0x36: {  	[tilespmem:s0+$0x12430] =	vst v0  }
0x37: {  	[tilespmem:s0+$0x14400] =	vst v0  }
0x38: {  	[tilespmem:s0+$0x14410] =	vst v0  }
0x39: {  	[tilespmem:s0+$0x14420] =	vst v0;
	s0 =	sshra.s32 s1, $0x2;
	s1 =	sadd.s32 $0x100, s1  }
0x3a: {  	[tilespmem:s0+$0x14430] =	vst v0  }
0x3b: {  	[tilespmem:s0+$0x6400] =	vst v0  }
0x3c: {  	[tilespmem:s0+$0x6410] =	vst v0  }
0x3d: {  	[tilespmem:s0+$0x6420] =	vst v0  }
0x3e: {  	[tilespmem:s0+$0x6430] =	vst v0  }
0x3f: {  	[tilespmem:s0+$0x8400] =	vst v0  }
0x40: {  	[tilespmem:s0+$0x8410] =	vst v0  }
0x41: {  	[tilespmem:s0+$0x8420] =	vst v0  }
0x42: {  	[tilespmem:s0+$0x8430] =	vst v0  }
0x43: {  	[tilespmem:s0+$0xA400] =	vst v0  }
0x44: {  	[tilespmem:s0+$0xA410] =	vst v0  }
0x45: {  	[tilespmem:s0+$0xA420] =	vst v0  }
0x46: {  	[tilespmem:s0+$0xA430] =	vst v0  }
0x47: {  	[tilespmem:s0+$0xC400] =	vst v0  }
0x48: {  	[tilespmem:s0+$0xC410] =	vst v0  }
0x49: {  	[tilespmem:s0+$0xC420] =	vst v0  }
0x4a: {  	[tilespmem:s0+$0xC430] =	vst v0  }
0x4b: {  	[tilespmem:s0+$0xE400] =	vst v0  }
0x4c: {  	[tilespmem:s0+$0xE410] =	vst v0  }
0x4d: {  	[tilespmem:s0+$0xE420] =	vst v0  }
0x4e: {  	[tilespmem:s0+$0xE430] =	vst v0  }
0x4f: {  	[tilespmem:s0+$0x10400] =	vst v0  }
0x50: {  	[tilespmem:s0+$0x10410] =	vst v0  }
0x51: {  	[tilespmem:s0+$0x10420] =	vst v0  }
0x52: {  	[tilespmem:s0+$0x10430] =	vst v0  }
0x53: {  	[tilespmem:s0+$0x12400] =	vst v0  }
0x54: {  	[tilespmem:s0+$0x12410] =	vst v0  }
0x55: {  	[tilespmem:s0+$0x12420] =	vst v0  }
0x56: {  	[tilespmem:s0+$0x12430] =	vst v0  }
0x57: {  	[tilespmem:s0+$0x14400] =	vst v0  }
0x58: {  	[tilespmem:s0+$0x14410] =	vst v0  }
0x59: {  	[tilespmem:s0+$0x14420] =	vst v0;
	s31 =	simm.s32 $0x0  }
0x5a: {  	[tilespmem:s12], [sflag:$0x1] =	stream.indirect.gather.add.f32 [hbm:s4], $0x40, s31, s10, $0xb8;
	[tilespmem:$0x18440] =	vst v63  }
0x5b: {  	s1 =	simm.s32 $0x80  }
0x5c: {  	[tilespmem:s13], [sflag:$0x2] =	stream.indirect.gather.add.f32 [hbm:s4], $0x40, s1, s10, $0xb8;
	[tilespmem:$0x18440] =	vst v63  }
0x5d: {  	s31 =	simm.s32 $0x100  }
0x5e: {  	[tilespmem:s14], [sflag:$0x3] =	stream.indirect.gather.add.f32 [hbm:s4], $0x40, s31, s10, $0xb8;
	[tilespmem:$0x18440] =	vst v63  }
0x5f: {  	s1 =	simm.s32 $0x180  }
0x60: {  	[tilespmem:s15], [sflag:$0x4] =	stream.indirect.gather.add.f32 [hbm:s4], $0x40, s1, s10, $0xb8;
	[tilespmem:$0x18440] =	vst v63  }
0x61: {  	s31 =	simm.s32 $0x200  }
0x62: {  	[tilespmem:s16], [sflag:$0x5] =	stream.indirect.gather.add.f32 [hbm:s4], $0x40, s31, s10, $0xb8;
	[tilespmem:$0x18440] =	vst v63  }
0x63: {  	s1 =	simm.s32 $0x280  }
0x64: {  	[tilespmem:s17], [sflag:$0x6] =	stream.indirect.gather.add.f32 [hbm:s4], $0x40, s1, s10, $0xb8;
	[tilespmem:$0x18440] =	vst v63  }
0x65: {  	s0 =	simm.s32 $0x1000;
	s31 =	simm.s32 $0x300;
	s1 =	simm.s32 $0x380  }
0x66: {  	[tilespmem:s18], [sflag:$0x7] =	stream.indirect.gather.add.f32 [hbm:s4], $0x40, s31, s10, $0xb8;
	[tilespmem:$0x18440] =	vst v63  }
.LBB2_4:
0x67: {  	[tilespmem:s19], [sflag:$0x8] =	stream.indirect.gather.add.f32 [hbm:s4], $0x40, s1, s10, $0xb8;
	[tilespmem:$0x18440] =	vst v63  }
0x68: {  	s1 =	sshra.s32 s0, $0x2;
	p0 =	sne.s32 s0, $0x18000;
	s0 =	sadd.s32 $0x1000, s0  }
0x69: {  	[tilespmem:s12], [sflag:$0x1] =	stream.indirect.gather.add.f32 [hbm:s4], $0x40, s1, s10, $0xb8;
	[tilespmem:$0x18440] =	vst v63  }
0x6a: {  	s31 =	sadd.s32 $0x80, s1  }
0x6b: {  	[tilespmem:s13], [sflag:$0x2] =	stream.indirect.gather.add.f32 [hbm:s4], $0x40, s31, s10, $0xb8;
	[tilespmem:$0x18440] =	vst v63  }
0x6c: {  	s31 =	sadd.s32 $0x100, s1  }
0x6d: {  	[tilespmem:s14], [sflag:$0x3] =	stream.indirect.gather.add.f32 [hbm:s4], $0x40, s31, s10, $0xb8;
	[tilespmem:$0x18440] =	vst v63  }
0x6e: {  	s31 =	sadd.s32 $0x180, s1  }
0x6f: {  	[tilespmem:s15], [sflag:$0x4] =	stream.indirect.gather.add.f32 [hbm:s4], $0x40, s31, s10, $0xb8;
	[tilespmem:$0x18440] =	vst v63  }
0x70: {  	s31 =	sadd.s32 $0x200, s1  }
0x71: {  	[tilespmem:s16], [sflag:$0x5] =	stream.indirect.gather.add.f32 [hbm:s4], $0x40, s31, s10, $0xb8;
	[tilespmem:$0x18440] =	vst v63  }
.Ltmp1:
0x72: {  	s31 =	sadd.s32 $0x280, s1;
	(pc) =	sbr.rel @p0 .LBB2_4-.Ltmp1, $4  }
0x73: {  	[tilespmem:s17], [sflag:$0x6] =	stream.indirect.gather.add.f32 [hbm:s4], $0x40, s31, s10, $0xb8;
	[tilespmem:$0x18440] =	vst v63  }
0x74: {  	s31 =	sadd.s32 $0x300, s1  }
0x75: {  	[tilespmem:s18], [sflag:$0x7] =	stream.indirect.gather.add.f32 [hbm:s4], $0x40, s31, s10, $0xb8;
	[tilespmem:$0x18440] =	vst v63  }
0x76: {  	s1 =	sadd.s32 $0x380, s1  }
0x77: {  	[tilespmem:s19], [sflag:$0x8] =	stream.indirect.gather.add.f32 [hbm:s4], $0x40, s1, s10, $0xb8;
	[tilespmem:$0x18440] =	vst v63  }
0x78: {  	_ =	swait.ge [sflag:s20], $0x2000  }
0x79: {  	[sflag:s20] =	ssyncset.done $0x0  }
0x7a: {  	[sflag:s20] =	ssyncadd.s32 $0xFFFFE000  }
0x7b: {  	_ =	swait.ge [sflag:s21], $0x2000  }
0x7c: {  	[sflag:s21] =	ssyncset.done $0x0  }
0x7d: {  	[sflag:s21] =	ssyncadd.s32 $0xFFFFE000  }
0x7e: {  	_ =	swait.ge [sflag:s22], $0x2000  }
0x7f: {  	[sflag:s22] =	ssyncset.done $0x0  }
0x80: {  	[sflag:s22] =	ssyncadd.s32 $0xFFFFE000  }
0x81: {  	_ =	swait.ge [sflag:s23], $0x2000  }
0x82: {  	[sflag:s23] =	ssyncset.done $0x0  }
0x83: {  	[sflag:s23] =	ssyncadd.s32 $0xFFFFE000  }
0x84: {  	_ =	swait.ge [sflag:s24], $0x2000  }
0x85: {  	[sflag:s24] =	ssyncset.done $0x0  }
0x86: {  	[sflag:s24] =	ssyncadd.s32 $0xFFFFE000  }
0x87: {  	_ =	swait.ge [sflag:s25], $0x2000  }
0x88: {  	[sflag:s25] =	ssyncset.done $0x0  }
0x89: {  	[sflag:s25] =	ssyncadd.s32 $0xFFFFE000  }
0x8a: {  	_ =	swait.ge [sflag:s26], $0x2000  }
0x8b: {  	[sflag:s26] =	ssyncset.done $0x0  }
0x8c: {  	[sflag:s26] =	ssyncadd.s32 $0xFFFFE000  }
0x8d: {  	_ =	swait.ge [sflag:s28], $0x2000  }
0x8e: {  	s0 =	simm.s32 $0x18;
	[sflag:s28] =	ssyncset.done $0x0  }
.LBB2_6:
0x8f: {  	p0 =	sne.s32 s0, $0x1;
	s0 =	sadd.s32 $0xFFFFFFFF, s0;
	[sflag:s28] =	ssyncadd.s32 $0xFFFFE000  }
0x90: {  	_ =	swait.ge [sflag:s20], $0x2000  }
0x91: {  	[sflag:s20] =	ssyncset.done $0x0  }
0x92: {  	[sflag:s20] =	ssyncadd.s32 $0xFFFFE000  }
0x93: {  	_ =	swait.ge [sflag:s21], $0x2000  }
0x94: {  	[sflag:s21] =	ssyncset.done $0x0  }
0x95: {  	[sflag:s21] =	ssyncadd.s32 $0xFFFFE000  }
0x96: {  	_ =	swait.ge [sflag:s22], $0x2000  }
0x97: {  	[sflag:s22] =	ssyncset.done $0x0  }
0x98: {  	[sflag:s22] =	ssyncadd.s32 $0xFFFFE000  }
0x99: {  	_ =	swait.ge [sflag:s23], $0x2000  }
0x9a: {  	[sflag:s23] =	ssyncset.done $0x0  }
0x9b: {  	[sflag:s23] =	ssyncadd.s32 $0xFFFFE000  }
0x9c: {  	_ =	swait.ge [sflag:s24], $0x2000  }
0x9d: {  	[sflag:s24] =	ssyncset.done $0x0  }
0x9e: {  	[sflag:s24] =	ssyncadd.s32 $0xFFFFE000  }
0x9f: {  	_ =	swait.ge [sflag:s25], $0x2000  }
0xa0: {  	[sflag:s25] =	ssyncset.done $0x0  }
0xa1: {  	[sflag:s25] =	ssyncadd.s32 $0xFFFFE000  }
.Ltmp2:
0xa2: {  	_ =	swait.ge [sflag:s26], $0x2000;
	(pc) =	sbr.rel @p0 .LBB2_6-.Ltmp2, $4  }
0xa3: {  	[sflag:s26] =	ssyncset.done $0x0  }
0xa4: {  	[sflag:s26] =	ssyncadd.s32 $0xFFFFE000  }
0xa5: {  	_ =	swait.ge [sflag:s28], $0x2000  }
0xa6: {  	[sflag:s28] =	ssyncset.done $0x0  }
0xa7: {  	[sflag:s28] =	ssyncadd.s32 $0xFFFFE000  }
0xa8: {  	v3 =	vld [tilespmem:$0x18400]  }
0xa9: {  	v1 =	vld [tilespmem:$0x18410]  }
0xaa: {  	v2 =	vld [tilespmem:$0x18420]  }
0xab: {  	s31 =	simm.s32 $0x0;
	v4 =	vld [tilespmem:$0x18430]  }
0xac: {  	v5 =	vld [tilespmem:s31+$0x6430]  }
0xad: {  	v6 =	vld [tilespmem:s31+$0x8430]  }
0xae: {  	v7 =	vld [tilespmem:s31+$0xA430]  }
0xaf: {  	v8 =	vld [tilespmem:s31+$0xC430]  }
0xb0: {  	v9 =	vld [tilespmem:s31+$0xE430]  }
0xb1: {  	v10 =	vld [tilespmem:s31+$0x10430]  }
0xb2: {  	v11 =	vld [tilespmem:s31+$0x12430]  }
0xb3: {  	v12 =	vld [tilespmem:s31+$0x14430]  }
0xb4: {  	v13 =	vld [tilespmem:s31+$0x6400]  }
0xb5: {  	v14 =	vld [tilespmem:s31+$0x8400]  }
0xb6: {  	v15 =	vld [tilespmem:s31+$0xA400]  }
0xb7: {  	v16 =	vld [tilespmem:s31+$0xC400]  }
0xb8: {  	v5 =	vadd.f32 v6, v5;
	v6 =	vadd.f32 v8, v7;
	v7 =	vld [tilespmem:s31+$0xE400]  }
0xb9: {  	v8 =	vadd.f32 v10, v9;
	v9 =	vadd.f32 v12, v11;
	v10 =	vld [tilespmem:s31+$0x10400]  }
0xba: {  	v11 =	vld [tilespmem:s31+$0x12400]  }
0xbb: {  	v5 =	vadd.f32 v6, v5;
	v6 =	vadd.f32 v9, v8;
	v8 =	vld [tilespmem:s31+$0x14400]  }
0xbc: {  	v61 =	vld [tilespmem:s31+$0x12410]  }
0xbd: {  	v12 =	vld [tilespmem:s31+$0xA410];
	v5 =	vadd.f32 v6, v5  }
0xbe: {  	v13 =	vadd.f32 v14, v13;
	v14 =	vld [tilespmem:s31+$0xC410]  }
0xbf: {  	v15 =	vadd.f32 v16, v15;
	v9 =	vld [tilespmem:s31+$0x6410];
	v5 =	vmul.f32 $4.999999890e-03, v5  }
0xc0: {  	v6 =	vld [tilespmem:s31+$0x8410];
	v7 =	vadd.f32 v10, v7;
	v8 =	vadd.f32 v8, v11  }
0xc1: {  	v10 =	vld [tilespmem:s31+$0xE410];
	v5 =	vadd.f32 v5, v4  }
0xc2: {  	v13 =	vadd.f32 v15, v13;
	v11 =	vld [tilespmem:s31+$0x10410];
	v7 =	vadd.f32 v8, v7  }
0xc3: {  	[tilespmem:s31+$0x16430] =	vst v5;
	v5 =	vld [tilespmem:s31+$0x14410]  }
0xc4: {  	v17 =	vld [tilespmem:s31+$0xC420];
	v7 =	vadd.f32 v7, v13  }
0xc5: {  	v18 =	vld [tilespmem:s31+$0xE420]  }
0xc6: {  	v15 =	vld [tilespmem:s31+$0xA420];
	v6 =	vadd.f32 v6, v9;
	v7 =	vmul.f32 $4.999999890e-03, v7  }
0xc7: {  	v8 =	vld [tilespmem:s31+$0x6420];
	v9 =	vadd.f32 v14, v12;
	v10 =	vadd.f32 v11, v10  }
0xc8: {  	v13 =	vld [tilespmem:s31+$0x8420];
	v7 =	vadd.f32 v7, v3;
	v5 =	vadd.f32 v5, v61  }
0xc9: {  	v12 =	vld [tilespmem:s31+$0x10420]  }
0xca: {  	v6 =	vadd.f32 v9, v6;
	v11 =	vld [tilespmem:s31+$0x12420];
	[tilespmem:s31+$0x16400] =	vst v7;
	v7 =	vadd.f32 v5, v10  }
0xcb: {  	s0 =	simm.s32 $0x40;
	v10 =	vld [tilespmem:s31+$0x14420]  }
0xcc: {  	v5 =	vld [tilespmem:s0+$0x6430];
	v9 =	vadd.f32 v7, v6  }
0xcd: {  	v13 =	vadd.f32 v13, v8;
	v8 =	vld [tilespmem:s0+$0xC430]  }
0xce: {  	v6 =	vld [tilespmem:s0+$0x8430];
	v14 =	vmul.f32 $4.999999890e-03, v9  }
0xcf: {  	v15 =	vadd.f32 v17, v15;
	v62 =	vadd.f32 v12, v18;
	v7 =	vld [tilespmem:s0+$0xA430]  }
0xd0: {  	v9 =	vld [tilespmem:s0+$0xE430];
	v63 =	vadd.f32 v10, v11;
	v14 =	vadd.f32 v14, v1  }
0xd1: {  	v10 =	vld [tilespmem:s0+$0x10430]  }
0xd2: {  	s1 =	simm.s32 $0x200;
	v12 =	vadd.f32 v15, v13;
	v11 =	vld [tilespmem:s0+$0x12430];
	v13 =	vadd.f32 v63, v62;
	[tilespmem:s31+$0x16410] =	vst v14  }
.LBB2_8:
0xd3: {  	p0 =	sne.s32 s1, $0x7F00;
	v14 =	vld [tilespmem:s0+$0x14430]  }
0xd4: {  	v15 =	vld [tilespmem:s0+$0x6400];
	v12 =	vadd.f32 v13, v12  }
0xd5: {  	v13 =	vld [tilespmem:s0+$0x8400]  }
0xd6: {  	v16 =	vld [tilespmem:s0+$0xA400];
	v12 =	vmul.f32 $4.999999890e-03, v12  }
0xd7: {  	v5 =	vadd.f32 v6, v5;
	v6 =	vadd.f32 v8, v7;
	v17 =	vld [tilespmem:s0+$0xC400]  }
0xd8: {  	v8 =	vadd.f32 v10, v9;
	v7 =	vld [tilespmem:s0+$0xE400];
	v9 =	vadd.f32 v14, v11  }
0xd9: {  	v11 =	vadd.f32 v12, v2;
	v10 =	vld [tilespmem:s0+$0x10400]  }
0xda: {  	v5 =	vadd.f32 v6, v5;
	v12 =	vld [tilespmem:s0+$0x12400];
	v6 =	vadd.f32 v9, v8  }
0xdb: {  	v8 =	vadd.f32 v13, v15;
	v9 =	vld [tilespmem:s0+$0x14400];
	[tilespmem:s31+$0x16420] =	vst v11;
	s31 =	smov.u32 s0  }
0xdc: {  	v11 =	vadd.f32 v17, v16;
	v13 =	vld [tilespmem:s31+$0x6410];
	v5 =	vadd.f32 v6, v5  }
0xdd: {  	v6 =	vld [tilespmem:s31+$0x8410]  }
0xde: {  	v7 =	vadd.f32 v10, v7;
	v8 =	vadd.f32 v11, v8;
	v10 =	vld [tilespmem:s31+$0xA410];
	v5 =	vmul.f32 $4.999999890e-03, v5  }
0xdf: {  	v11 =	vld [tilespmem:s31+$0xC410]  }
0xe0: {  	v9 =	vadd.f32 v9, v12;
	v12 =	vld [tilespmem:s31+$0xE410];
	v5 =	vadd.f32 v5, v4  }
0xe1: {  	v14 =	vld [tilespmem:s31+$0x10410]  }
0xe2: {  	v7 =	vadd.f32 v9, v7;
	v6 =	vadd.f32 v6, v13;
	v9 =	vld [tilespmem:s31+$0x12410];
	[tilespmem:s31+$0x16430] =	vst v5  }
0xe3: {  	v5 =	vld [tilespmem:s31+$0x14410]  }
0xe4: {  	v7 =	vadd.f32 v7, v8;
	v8 =	vadd.f32 v11, v10;
	v10 =	vld [tilespmem:s31+$0x6420]  }
0xe5: {  	v11 =	vld [tilespmem:s31+$0x8420]  }
0xe6: {  	v7 =	vmul.f32 $4.999999890e-03, v7;
	v12 =	vadd.f32 v14, v12;
	v6 =	vadd.f32 v8, v6;
	v8 =	vld [tilespmem:s31+$0xA420]  }
0xe7: {  	v13 =	vld [tilespmem:s31+$0xC420]  }
0xe8: {  	v7 =	vadd.f32 v7, v3;
	v5 =	vadd.f32 v5, v9;
	v9 =	vld [tilespmem:s31+$0xE420]  }
0xe9: {  	v14 =	vld [tilespmem:s31+$0x10420]  }
0xea: {  	[tilespmem:s31+$0x16400] =	vst v7;
	v7 =	vadd.f32 v5, v12;
	v10 =	vadd.f32 v11, v10;
	v11 =	vld [tilespmem:s31+$0x12420]  }
0xeb: {  	s0 =	sshra.s32 s1, $0x2;
	v15 =	vld [tilespmem:s31+$0x14420]  }
0xec: {  	v5 =	vld [tilespmem:s0+$0x6430];
	v12 =	vadd.f32 v7, v6;
	v8 =	vadd.f32 v13, v8  }
0xed: {  	v6 =	vld [tilespmem:s0+$0x8430]  }
.Ltmp3:
0xee: {  	v7 =	vld [tilespmem:s0+$0xA430];
	v13 =	vmul.f32 $4.999999890e-03, v12;
	v14 =	vadd.f32 v14, v9;
	v12 =	vadd.f32 v8, v10;
	(pc) =	sbr.rel @p0 .LBB2_8-.Ltmp3, $4  }
0xef: {  	v8 =	vld [tilespmem:s0+$0xC430]  }
0xf0: {  	v9 =	vld [tilespmem:s0+$0xE430];
	v13 =	vadd.f32 v13, v1;
	v15 =	vadd.f32 v15, v11  }
0xf1: {  	v10 =	vld [tilespmem:s0+$0x10430]  }
0xf2: {  	s1 =	sadd.s32 $0x100, s1;
	v11 =	vld [tilespmem:s0+$0x12430];
	[tilespmem:s31+$0x16410] =	vst v13;
	v13 =	vadd.f32 v15, v14  }
0xf3: {  	v14 =	vld [tilespmem:s0+$0x14430]  }
0xf4: {  	v15 =	vld [tilespmem:s0+$0x6400]  }
0xf5: {  	v16 =	vld [tilespmem:s0+$0x8400];
	v12 =	vadd.f32 v13, v12  }
0xf6: {  	v36 =	vld [tilespmem:s0+$0xA400]  }
0xf7: {  	v17 =	vld [tilespmem:s0+$0xC400];
	v12 =	vmul.f32 $4.999999890e-03, v12  }
0xf8: {  	v37 =	vld [tilespmem:s0+$0xE400]  }
0xf9: {  	v39 =	vld [tilespmem:s0+$0x10400];
	v41 =	vadd.f32 v12, v2  }
0xfa: {  	v42 =	vld [tilespmem:s0+$0x12400]  }
0xfb: {  	v43 =	vld [tilespmem:s0+$0x14400];
	[tilespmem:s31+$0x16420] =	vst v41  }
0xfc: {  	v45 =	vld [tilespmem:s0+$0x6410]  }
0xfd: {  	v46 =	vld [tilespmem:s0+$0x8410]  }
0xfe: {  	v47 =	vld [tilespmem:s0+$0xA410]  }
0xff: {  	v5 =	vadd.f32 v6, v5;
	v49 =	vld [tilespmem:s0+$0xC410]  }
0x100: {  	v48 =	vadd.f32 v16, v15;
	v13 =	vadd.f32 v17, v36;
	v50 =	vld [tilespmem:s0+$0xE410]  }
0x101: {  	v6 =	vadd.f32 v39, v37;
	v12 =	vadd.f32 v43, v42;
	v51 =	vld [tilespmem:s0+$0x10410]  }
0x102: {  	v40 =	vadd.f32 v14, v11;
	v52 =	vld [tilespmem:s0+$0x12410]  }
0x103: {  	v11 =	vadd.f32 v13, v48;
	v6 =	vadd.f32 v12, v6;
	v53 =	vld [tilespmem:s0+$0x14410]  }
0x104: {  	v7 =	vadd.f32 v8, v7;
	v38 =	vadd.f32 v10, v9;
	v54 =	vld [tilespmem:s0+$0x6420]  }
0x105: {  	v55 =	vld [tilespmem:s0+$0x8420];
	v6 =	vadd.f32 v6, v11  }
0x106: {  	v5 =	vadd.f32 v7, v5;
	v44 =	vadd.f32 v40, v38;
	v56 =	vld [tilespmem:s0+$0xA420]  }
0x107: {  	v57 =	vld [tilespmem:s0+$0xC420];
	v6 =	vmul.f32 $4.999999890e-03, v6  }
0x108: {  	v58 =	vld [tilespmem:s0+$0xE420];
	v5 =	vadd.f32 v44, v5  }
0x109: {  	v59 =	vld [tilespmem:s0+$0x10420];
	v3 =	vadd.f32 v6, v3  }
0x10a: {  	v18 =	vld [tilespmem:s0+$0x14420];
	v5 =	vmul.f32 $4.999999890e-03, v5  }
0x10b: {  	[tilespmem:s0+$0x16400] =	vst v3;
	v3 =	vld [tilespmem:s0+$0x12420]  }
0x10c: {  	v4 =	vadd.f32 v5, v4  }
0x10d: {  	v7 =	vadd.f32 v46, v45;
	v60 =	vadd.f32 v49, v47  }
0x10e: {  	v5 =	vadd.f32 v51, v50;
	v61 =	vadd.f32 v55, v54  }
0x10f: {  	v62 =	vadd.f32 v57, v56;
	[tilespmem:s0+$0x16430] =	vst v4;
	v4 =	vadd.f32 v53, v52  }
0x110: {  	v6 =	vadd.f32 v59, v58;
	v3 =	vadd.f32 v18, v3  }
0x111: {  	v7 =	vadd.f32 v60, v7;
	v4 =	vadd.f32 v4, v5  }
0x112: {  	v63 =	vadd.f32 v62, v61;
	v3 =	vadd.f32 v3, v6  }
0x113: {  	v4 =	vadd.f32 v4, v7  }
0x114: {  	v3 =	vadd.f32 v3, v63  }
0x115: {  	v4 =	vmul.f32 $4.999999890e-03, v4  }
0x116: {  	v3 =	vmul.f32 $4.999999890e-03, v3  }
0x117: {  	v1 =	vadd.f32 v4, v1  }
0x118: {  	s30 =	sadd.s32 $0x1, s30;
	v2 =	vadd.f32 v3, v2  }
0x119: {  	p0 =	sne.s32 s30, s7;
	[tilespmem:s0+$0x16410] =	vst v1  }
.Ltmp4:
0x11a: {  	[tilespmem:s0+$0x16420] =	vst v2;
	(pc) =	sbr.rel @p0 .LBB2_1-.Ltmp4, $4  }
0x11b: {  	[hbm4b:s6+s3] =	stream.linear.scatter [tilespmem:s29], [sflag:$0x9], $0x2000, $0x38;
	[tilespmem:$0x18440] =	vst v63  }
0x11c: {  	_ =	swait.ge [sflag:s9], $0x2000  }
0x11d: {  	[sflag:s9] =	ssyncset.done $0x0  }
0x11e: {  	[sflag:s9] =	ssyncadd.s32 $0xFFFFE000  }
0x11f: {  	_ =	sfence.sel $0x180000  }
0x120: {  	[bflag:$0x0] =	sbarrier.arrive $0xFFFF  }
0x121: {  	_ =	strace $0x90000047  }
0x122: {  	s0 =	stileid.u32;
	[bflag:$0x2] =	sbarrier.arrive $0xFFFF  }
0x123: {  	p0 =	sne.s32 s0, $0x0;
	s0 =	rddreg [dreg:$0x3]  }
0x124: {  	s0 =	sadd.s32 @!p0 $0x100000, s0  }
0x125: {  	[sflag:s0] =	ssyncadd.tile.s32 @!p0 $0x1;
	_ =	shalt  }
.Lfunc_end2:
_tile_overlayer_lowered:
.L_overlay_start_2:
0x126: {  	(tag) =	ssettag $0x2  }
0x127: {  	s0 =	rddreg [dreg:$0x0];
	s2 =	stileid.u32  }
0x128: {  	s1 =	rddreg [dreg:$0x1];
	p0 =	sne.s32 s2, $0x0  }
0x129: {  	s3 =	rddreg [dreg:$0x2];
	[bflag:$0x3] =	sbarrier.arrive $0xFFFF;
	s2 =	simm.s32 @!p0 $0x1C09  }
0x12a: {  	[timem:s3], [sflag:s2] =	dma.local @!p0 [hbm:s0], s1  }
0x12b: {  	s0 =	simm.s32 @!p0 $0x9  }
0x12c: {  	_ =	swait.ge @!p0 [sflag:s0], s1  }
0x12d: {  	s1 =	ssub.s32 @!p0 $0x0, s1;
	[sflag:s0] =	ssyncset.done @!p0 $0x0  }
0x12e: {  	[sflag:s0] =	ssyncadd.s32 @!p0 s1  }
0x12f: {  	[bflag:$0x3] =	sbarrier.arrive $0xFFFF  }
0x130: {  	_ =	shalt  }

</sc_bundles>
